<compile_context>
chip_gen: v7x
topology: tpu7x:2x2x1
jax: 0.10.2.dev20260603
libtpu: 0.0.44.dev20260713+nightly
codegen_flags: <defaults>
</compile_context>

<pallas_src>
import functools

import jax
import jax.numpy as jnp
from jax import lax
from jax.experimental import pallas as pl
from jax.experimental.pallas import tpu as pltpu
from jax.experimental.pallas import tpu_sc as plsc

N = 10000
E = 320000
H = 128
NP = 10240
NSC = 2
NSUB = 16
NW = NSC * NSUB
ET = E // NW
CH = 80
NCH = ET // CH
NQ = CH // 16
RT = NP // NSUB
BN = 400
GRID = N // BN

_mesh = plsc.VectorSubcoreMesh(core_axis_name="c", subcore_axis_name="s")
_dn = (((1,), (1,)), ((), ()))


def _pre_body(x_r, h_r, c_r, watt_r, batt_r, uw_r, ub_r, uf_r, wf_r, bf_r,
              wiou_r, biou_r, ta_o, tb_o, amax_o, hfc_o, xf_o, xiou_o):
    i = pl.program_id(0)
    xb = x_r[...]
    hb = h_r[...]
    cb = c_r[...]
    f32 = jnp.float32
    Wh = lax.dot_general(hb, watt_r[...], _dn, preferred_element_type=f32) + batt_r[...]
    Wx = lax.dot_general(xb, watt_r[...], _dn, preferred_element_type=f32) + batt_r[...]
    uw = uw_r[...]
    a = lax.dot_general(Wh, uw[:, :H], _dn, preferred_element_type=f32)
    bv = lax.dot_general(Wx, uw[:, H:], _dn, preferred_element_type=f32) + ub_r[...]
    ta_o[...] = a
    tb_o[...] = bv

    @pl.when(i == 0)
    def _():
        amax_o[...] = jnp.full((1, 16), -1e38, f32)

    amax_o[...] = jnp.maximum(amax_o[...], jnp.max(a))
    hfc_o[...] = jnp.concatenate(
        [lax.dot_general(hb, uf_r[...], _dn, preferred_element_type=f32), cb], axis=1)
    xf_o[...] = lax.dot_general(xb, wf_r[...], _dn, preferred_element_type=f32) + bf_r[...]
    xiou_o[...] = lax.dot_general(xb, wiou_r[...], _dn, preferred_element_type=f32) + biou_r[...]


def _full(shape):
    return pl.BlockSpec(shape, lambda i: (0,) * len(shape))


_pre = pl.pallas_call(
    _pre_body,
    grid=(GRID,),
    in_specs=[
        pl.BlockSpec((BN, H), lambda i: (i, 0)),
        pl.BlockSpec((BN, H), lambda i: (i, 0)),
        pl.BlockSpec((BN, H), lambda i: (i, 0)),
        _full((H, H)),
        _full((1, H)),
        _full((16, 2 * H)),
        _full((1, 16)),
        _full((H, H)),
        _full((H, H)),
        _full((1, H)),
        _full((3 * H, H)),
        _full((1, 3 * H)),
    ],
    out_specs=[
        pl.BlockSpec((BN, 16), lambda i: (i, 0)),
        pl.BlockSpec((BN, 16), lambda i: (i, 0)),
        pl.BlockSpec((1, 16), lambda i: (0, 0)),
        pl.BlockSpec((BN, 2 * H), lambda i: (i, 0)),
        pl.BlockSpec((BN, H), lambda i: (i, 0)),
        pl.BlockSpec((BN, 3 * H), lambda i: (i, 0)),
    ],
    out_shape=[
        jax.ShapeDtypeStruct((N, 16), jnp.float32),
        jax.ShapeDtypeStruct((N, 16), jnp.float32),
        jax.ShapeDtypeStruct((1, 16), jnp.float32),
        jax.ShapeDtypeStruct((N, 2 * H), jnp.float32),
        jax.ShapeDtypeStruct((N, H), jnp.float32),
        jax.ShapeDtypeStruct((N, 3 * H), jnp.float32),
    ],
)


def _k2_body(src2_h, dst2_h, h_h, a_h, bv_h, amax_h, zrt_h, znp_h,
             s_out, d_out,
             sidx_v, didx_v, srow_v, exbuf_v, amax_v,
             a_tab, bv_tab, den_tab, acc, sem1):
    cid = lax.axis_index("c")
    sid = lax.axis_index("s")
    wid = sid * NSC + cid
    rbase = pl.multiple_of(sid * RT, 8)
    pltpu.sync_copy(zrt_h, acc.at[pl.ds(rbase, RT)])
    pltpu.sync_copy(znp_h, den_tab)
    pltpu.sync_copy(a_h, a_tab)
    pltpu.sync_copy(bv_h, bv_tab)
    pltpu.sync_copy(amax_h, amax_v)
    plsc.subcore_barrier()

    def chunk(ci, carry):
        pltpu.sync_copy(src2_h.at[wid, ci], sidx_v)
        pltpu.sync_copy(dst2_h.at[wid, ci], didx_v)
        g1 = pltpu.async_copy(h_h.at[sidx_v], srow_v, sem1)
        am = amax_v[...]

        def qgrp(q, c2):
            sl = pl.ds(q * 16, 16)
            si = sidx_v[sl]
            di = didx_v[sl]
            av = plsc.load_gather(a_tab, [si])
            bvv = plsc.load_gather(bv_tab, [di])
            s = av + bvv
            s = jnp.where(s > 0.0, s, s * 0.01)
            M = am + bvv
            M = jnp.where(M > 0.0, M, M * 0.01)
            ex = jnp.exp(s - M)
            exbuf_v[sl] = ex
            plsc.addupdate_scatter(den_tab, [di], ex)
            return c2

        lax.fori_loop(0, NQ, qgrp, 0)
        g1.wait()

        def rowb(k, c2):
            exb = plsc.load_gather(exbuf_v, [jnp.full((16,), k, jnp.int32)])

            def colb(q, c3):
                sl = pl.ds(q * 16, 16)
                srow_v[k, sl] = srow_v[k, sl] * exb
                return c3

            lax.fori_loop(0, H // 16, colb, 0)
            return c2

        lax.fori_loop(0, CH, rowb, 0)
        pltpu.sync_copy(srow_v, acc.at[didx_v], add=True)
        return carry

    lax.fori_loop(0, NCH, chunk, 0)
    plsc.subcore_barrier()
    pltpu.sync_copy(acc.at[pl.ds(rbase, RT)], s_out.at[cid, pl.ds(rbase, RT)])
    pltpu.sync_copy(den_tab, d_out.at[cid, sid])


_k2 = functools.partial(
    pl.kernel,
    mesh=_mesh,
    out_type=[
        jax.ShapeDtypeStruct((NSC, NP, H), jnp.float32),
        jax.ShapeDtypeStruct((NSC, NSUB, NP), jnp.float32),
    ],
    scratch_types=[
        pltpu.VMEM((CH,), jnp.int32),
        pltpu.VMEM((CH,), jnp.int32),
        pltpu.VMEM((CH, H), jnp.float32),
        pltpu.VMEM((CH,), jnp.float32),
        pltpu.VMEM((16,), jnp.float32),
        pltpu.VMEM((NP,), jnp.float32),
        pltpu.VMEM((NP,), jnp.float32),
        pltpu.VMEM((NP,), jnp.float32),
        pltpu.VMEM_SHARED((NP, H), jnp.float32),
        pltpu.SemaphoreType.DMA,
    ],
    compiler_params=pltpu.CompilerParams(needs_layout_passes=False),
)(_k2_body)


def _k3_body(src2_h, dst2_h, hfc_h, xf_h, zrt_h, c_out,
             sidx_v, didx_v, hfc_v, xf_v, acc, sem1, sem2):
    cid = lax.axis_index("c")
    sid = lax.axis_index("s")
    wid = sid * NSC + cid
    rbase = pl.multiple_of(sid * RT, 8)
    pltpu.sync_copy(zrt_h, acc.at[pl.ds(rbase, RT)])
    plsc.subcore_barrier()

    def chunk(ci, carry):
        pltpu.sync_copy(src2_h.at[wid, ci], sidx_v)
        pltpu.sync_copy(dst2_h.at[wid, ci], didx_v)
        g1 = pltpu.async_copy(hfc_h.at[sidx_v], hfc_v, sem1)
        g2 = pltpu.async_copy(xf_h.at[didx_v], xf_v, sem2)
        g1.wait()
        g2.wait()

        def rowb(k, c2):
            def colb(q, c3):
                sl = pl.ds(q * 16, 16)
                z = hfc_v[k, sl] + xf_v[k, sl]
                f = 1.0 / (1.0 + jnp.exp(-z))
                xf_v[k, sl] = f * hfc_v[k, pl.ds(H + q * 16, 16)]
                return c3

            lax.fori_loop(0, H // 16, colb, 0)
            return c2

        lax.fori_loop(0, CH, rowb, 0)
        pltpu.sync_copy(xf_v, acc.at[didx_v], add=True)
        return carry

    lax.fori_loop(0, NCH, chunk, 0)
    plsc.subcore_barrier()
    pltpu.sync_copy(acc.at[pl.ds(rbase, RT)], c_out.at[cid, pl.ds(rbase, RT)])


_k3 = functools.partial(
    pl.kernel,
    mesh=_mesh,
    out_type=jax.ShapeDtypeStruct((NSC, NP, H), jnp.float32),
    scratch_types=[
        pltpu.VMEM((CH,), jnp.int32),
        pltpu.VMEM((CH,), jnp.int32),
        pltpu.VMEM((CH, 2 * H), jnp.float32),
        pltpu.VMEM((CH, H), jnp.float32),
        pltpu.VMEM_SHARED((NP, H), jnp.float32),
        pltpu.SemaphoreType.DMA,
        pltpu.SemaphoreType.DMA,
    ],
    compiler_params=pltpu.CompilerParams(needs_layout_passes=False),
)(_k3_body)


def _post_body(s_r, d_r, c_r, xiou_r, uiou_r, h_o, c_o):
    S = s_r[0] + s_r[1]
    Cg = c_r[0] + c_r[1]
    den = jnp.sum(d_r[...], axis=1)[:, None]
    ht = S / jnp.maximum(den, 1e-9)
    iou = lax.dot_general(ht, uiou_r[...], _dn,
                          preferred_element_type=jnp.float32) + xiou_r[...]
    ii = iou[:, :H]
    oo = iou[:, H:2 * H]
    uu = iou[:, 2 * H:]
    cn = jax.nn.sigmoid(ii) * jnp.tanh(uu) + Cg
    h_o[...] = jax.nn.sigmoid(oo) * jnp.tanh(cn)
    c_o[...] = cn


_post = pl.pallas_call(
    _post_body,
    grid=(GRID,),
    in_specs=[
        pl.BlockSpec((NSC, BN, H), lambda i: (0, i, 0)),
        pl.BlockSpec((BN, NW), lambda i: (i, 0)),
        pl.BlockSpec((NSC, BN, H), lambda i: (0, i, 0)),
        pl.BlockSpec((BN, 3 * H), lambda i: (i, 0)),
        _full((3 * H, H)),
    ],
    out_specs=[
        pl.BlockSpec((BN, H), lambda i: (i, 0)),
        pl.BlockSpec((BN, H), lambda i: (i, 0)),
    ],
    out_shape=[
        jax.ShapeDtypeStruct((N, H), jnp.float32),
        jax.ShapeDtypeStruct((N, H), jnp.float32),
    ],
)


def kernel(x, h, c, edge_index, W_att, b_att, u_w, u_b, W_iou, U_iou, b_iou,
           U_f, W_f, b_f):
    src = edge_index[0].astype(jnp.int32)
    dst = edge_index[1].astype(jnp.int32)
    ta, tb, amax, hfc, xf, xiou = _pre(
        x, h, c, W_att, b_att.reshape(1, H),
        jnp.tile(u_w.reshape(1, 2 * H), (16, 1)),
        jnp.tile(u_b.reshape(1, 1), (1, 16)),
        U_f, W_f, b_f, W_iou, b_iou)
    pad = jnp.zeros((NP - N,), jnp.float32)
    a_flat = jnp.concatenate([ta[:, 0], pad])
    bv_flat = jnp.concatenate([tb[:, 0], pad])
    zrt = jnp.zeros((RT, H), jnp.float32)
    znp = jnp.zeros((NP,), jnp.float32)
    src2 = src.reshape(NW, NCH, CH)
    dst2 = dst.reshape(NW, NCH, CH)
    spart, dpart = _k2(src2, dst2, h, a_flat, bv_flat, amax.reshape(16),
                       zrt, znp)
    cpart = _k3(src2, dst2, hfc, xf, zrt)
    dpart_t = dpart.reshape(NW, NP).T
    h_new, c_new = _post(spart, dpart_t, cpart, xiou, U_iou)
    return h_new, c_new

# --- scband reference (transcript-rebuilt; emitter-appended) ---
"""Pipeline reference for scband-tree-aggregator-cell-18717467476619 (READ-ONLY COPY).

The authoritative reference and input builder live on the scoring server;
editing this copy changes nothing except your own understanding.
"""

import jax, jax.numpy as jnp
import numpy as np

N = 10000
E = 320000
X = 128
H = 128


def setup_inputs(seed: int = 0) -> dict:
    key = jax.random.key(seed)
    ks = jax.random.split(key, 16)
    inp = {}
    inp["x"] = jax.random.normal(ks[0], (N, X), dtype=jnp.float32)
    inp["h"] = jax.random.normal(ks[1], (N, H), dtype=jnp.float32)
    inp["c"] = jax.random.normal(ks[2], (N, H), dtype=jnp.float32)
    inp["edge_index"] = jax.random.randint(ks[3], (2, E), 0, N)
    s = 0.05
    inp["W_att"] = jax.random.normal(ks[4], (H, X), dtype=jnp.float32) * s
    inp["b_att"] = jnp.zeros((H,), dtype=jnp.float32)
    inp["u_w"] = jax.random.normal(ks[5], (1, 2 * H), dtype=jnp.float32) * s
    inp["u_b"] = jnp.zeros((1,), dtype=jnp.float32)
    inp["W_iou"] = jax.random.normal(ks[6], (3 * H, X), dtype=jnp.float32) * s
    inp["U_iou"] = jax.random.normal(ks[7], (3 * H, H), dtype=jnp.float32) * s
    inp["b_iou"] = jnp.zeros((1, 3 * H), dtype=jnp.float32)
    inp["U_f"] = jax.random.normal(ks[8], (H, H), dtype=jnp.float32) * s
    inp["W_f"] = jax.random.normal(ks[9], (H, X), dtype=jnp.float32) * s
    inp["b_f"] = jnp.zeros((1, H), dtype=jnp.float32)
    return inp


def reference(x, h, c, edge_index, W_att, b_att, u_w, u_b, W_iou, U_iou, b_iou, U_f, W_f, b_f):
    src = edge_index[0]
    dst = edge_index[1]
    # message_func: gather source states along each edge (edge_time falsy -> no time term)
    h_m = jnp.take(h, src, axis=0)            # [E, H] mailbox 'h'
    c_m = jnp.take(c, src, axis=0)            # [E, H] mailbox 'c'
    x_dst = jnp.take(x, dst, axis=0)          # [E, X] nodes.data['x'] broadcast over mailbox
    # reduce_func: forget gates per child edge
    f = jax.nn.sigmoid(h_m @ U_f.T + x_dst @ W_f.T + b_f)   # [E, H]
    c_agg = jax.ops.segment_sum(f * c_m, dst, num_segments=N)  # [N, H]
    # Attention: combined = cat(W(h_m), W(x_dst)); scores = leaky_relu(u(combined)); softmax over mailbox dim
    Wh = h_m @ W_att.T + b_att
    Wx = x_dst @ W_att.T + b_att
    combined = jnp.concatenate([Wh, Wx], axis=-1)            # [E, 2H]
    scores = jax.nn.leaky_relu(combined @ u_w.T + u_b, negative_slope=0.01)[:, 0]  # [E]
    m = jax.ops.segment_max(scores, dst, num_segments=N)
    m_safe = jnp.where(jnp.isfinite(m), m, 0.0)
    ex = jnp.exp(scores - jnp.take(m_safe, dst, axis=0))
    denom = jax.ops.segment_sum(ex, dst, num_segments=N)
    w = ex / jnp.maximum(jnp.take(denom, dst, axis=0), 1e-9)  # segment softmax weights [E]
    h_tilde = jax.ops.segment_sum(h_m * w[:, None], dst, num_segments=N)  # [N, H]
    # apply_node_func
    iou = h_tilde @ U_iou.T + x @ W_iou.T + b_iou
    i, o, u = jnp.split(iou, 3, axis=1)
    i = jax.nn.sigmoid(i)
    o = jax.nn.sigmoid(o)
    u = jnp.tanh(u)
    c_new = i * u + c_agg
    h_new = o * jnp.tanh(c_new)
    return h_new, c_new

if __name__ == "__main__":
    import jax
    _d = setup_inputs()
    print(jax.jit(kernel)(*tuple(_d.values())))

</pallas_src>

<mosaic_0001>
#map = affine_map<(d0, d1) -> (0, 0, 0)>
#map1 = affine_map<(d0, d1) -> (0, 0)>
#map2 = affine_map<(d0, d1) -> (0)>
module attributes {stable_mosaic.version = 14 : i64} {
  func.func @_k2_body(%arg0: i32, %arg1: i32, %arg2: memref<32x125x80xi32, #tpu.memory_space<hbm>>, %arg3: memref<32x125x80xi32, #tpu.memory_space<hbm>>, %arg4: memref<10000x128xf32, #tpu.memory_space<hbm>>, %arg5: memref<10240xf32, #tpu.memory_space<hbm>>, %arg6: memref<10240xf32, #tpu.memory_space<hbm>>, %arg7: memref<16xf32, #tpu.memory_space<hbm>>, %arg8: memref<640x128xf32, #tpu.memory_space<hbm>>, %arg9: memref<10240xf32, #tpu.memory_space<hbm>>, %arg10: memref<2x10240x128xf32, #tpu.memory_space<hbm>>, %arg11: memref<2x16x10240xf32, #tpu.memory_space<hbm>>, %arg12: memref<80xi32, #tpu.memory_space<vmem>>, %arg13: memref<80xi32, #tpu.memory_space<vmem>>, %arg14: memref<80x128xf32, #tpu.memory_space<vmem>>, %arg15: memref<80xf32, #tpu.memory_space<vmem>>, %arg16: memref<16xf32, #tpu.memory_space<vmem>>, %arg17: memref<10240xf32, #tpu.memory_space<vmem>>, %arg18: memref<10240xf32, #tpu.memory_space<vmem>>, %arg19: memref<10240xf32, #tpu.memory_space<vmem>>, %arg20: memref<10240x128xf32, #tpu.memory_space<vmem_shared>>, %arg21: memref<!tpu.dma_semaphore, #tpu.memory_space<semaphore_mem>>) attributes {dimension_semantics = [#tpu.dimension_semantics<core_parallel>, #tpu.dimension_semantics<subcore_parallel>], iteration_bounds = array<i64: 2, 16>, scalar_prefetch = 0 : i64, scratch_operands = 10 : i64, tpu.core_type = #tpu.core_type<sc_vector_subcore>, window_params = [{transform_indices = #map}, {transform_indices = #map}, {transform_indices = #map1}, {transform_indices = #map2}, {transform_indices = #map2}, {transform_indices = #map2}, {transform_indices = #map1}, {transform_indices = #map2}, {transform_indices = #map}, {transform_indices = #map}]} {
    %mul3A = arith.constant 2 : i32
    %mul3A_0 = arith.muli %arg1, %mul3A : i32
    %add3A = arith.addi %mul3A_0, %arg0 : i32
    %mul3A_1 = arith.constant 640 : i32
    %mul3A_2 = arith.muli %arg1, %mul3A_1 : i32
    %multiple_of3A = tpu.assume_multiple %mul3A_2, 8 : i32
    "tpu.region"() ({
      %run_scoped3A = tpu.sem_alloc : memref<!tpu.dma_semaphore, #tpu.memory_space<semaphore_mem>>
      %dma_start3A = arith.constant 0 : i32
      %dma_start3A_9 = tpu.memref_slice %arg20[%multiple_of3A, %dma_start3A] : memref<10240x128xf32, #tpu.memory_space<vmem_shared>> -> memref<640x128xf32, #tpu.memory_space<vmem_shared>>
      tpu.enqueue_dma source(%arg8 : memref<640x128xf32, #tpu.memory_space<hbm>>) target(%dma_start3A_9 : memref<640x128xf32, #tpu.memory_space<vmem_shared>>) target_semaphore(%run_scoped3A : memref<!tpu.dma_semaphore, #tpu.memory_space<semaphore_mem>>)
      %dma_wait3A = arith.constant 0 : i32
      %dma_wait3A_10 = tpu.memref_slice %arg20[%multiple_of3A, %dma_wait3A] : memref<10240x128xf32, #tpu.memory_space<vmem_shared>> -> memref<640x128xf32, #tpu.memory_space<vmem_shared>>
      tpu.wait_dma2 semaphore(%run_scoped3A : memref<!tpu.dma_semaphore, #tpu.memory_space<semaphore_mem>>) src(%arg8 : memref<640x128xf32, #tpu.memory_space<hbm>>) dst(%dma_wait3A_10 : memref<640x128xf32, #tpu.memory_space<vmem_shared>>)
      tpu.yield
    }) : () -> ()
    "tpu.region"() ({
      %run_scoped3A = tpu.sem_alloc : memref<!tpu.dma_semaphore, #tpu.memory_space<semaphore_mem>>
      tpu.enqueue_dma source(%arg9 : memref<10240xf32, #tpu.memory_space<hbm>>) target(%arg19 : memref<10240xf32, #tpu.memory_space<vmem>>) target_semaphore(%run_scoped3A : memref<!tpu.dma_semaphore, #tpu.memory_space<semaphore_mem>>)
      tpu.wait_dma2 semaphore(%run_scoped3A : memref<!tpu.dma_semaphore, #tpu.memory_space<semaphore_mem>>) src(%arg9 : memref<10240xf32, #tpu.memory_space<hbm>>) dst(%arg19 : memref<10240xf32, #tpu.memory_space<vmem>>)
      tpu.yield
    }) : () -> ()
    "tpu.region"() ({
      %run_scoped3A = tpu.sem_alloc : memref<!tpu.dma_semaphore, #tpu.memory_space<semaphore_mem>>
      tpu.enqueue_dma source(%arg5 : memref<10240xf32, #tpu.memory_space<hbm>>) target(%arg17 : memref<10240xf32, #tpu.memory_space<vmem>>) target_semaphore(%run_scoped3A : memref<!tpu.dma_semaphore, #tpu.memory_space<semaphore_mem>>)
      tpu.wait_dma2 semaphore(%run_scoped3A : memref<!tpu.dma_semaphore, #tpu.memory_space<semaphore_mem>>) src(%arg5 : memref<10240xf32, #tpu.memory_space<hbm>>) dst(%arg17 : memref<10240xf32, #tpu.memory_space<vmem>>)
      tpu.yield
    }) : () -> ()
    "tpu.region"() ({
      %run_scoped3A = tpu.sem_alloc : memref<!tpu.dma_semaphore, #tpu.memory_space<semaphore_mem>>
      tpu.enqueue_dma source(%arg6 : memref<10240xf32, #tpu.memory_space<hbm>>) target(%arg18 : memref<10240xf32, #tpu.memory_space<vmem>>) target_semaphore(%run_scoped3A : memref<!tpu.dma_semaphore, #tpu.memory_space<semaphore_mem>>)
      tpu.wait_dma2 semaphore(%run_scoped3A : memref<!tpu.dma_semaphore, #tpu.memory_space<semaphore_mem>>) src(%arg6 : memref<10240xf32, #tpu.memory_space<hbm>>) dst(%arg18 : memref<10240xf32, #tpu.memory_space<vmem>>)
      tpu.yield
    }) : () -> ()
    "tpu.region"() ({
      %run_scoped3A = tpu.sem_alloc : memref<!tpu.dma_semaphore, #tpu.memory_space<semaphore_mem>>
      tpu.enqueue_dma source(%arg7 : memref<16xf32, #tpu.memory_space<hbm>>) target(%arg16 : memref<16xf32, #tpu.memory_space<vmem>>) target_semaphore(%run_scoped3A : memref<!tpu.dma_semaphore, #tpu.memory_space<semaphore_mem>>)
      tpu.wait_dma2 semaphore(%run_scoped3A : memref<!tpu.dma_semaphore, #tpu.memory_space<semaphore_mem>>) src(%arg7 : memref<16xf32, #tpu.memory_space<hbm>>) dst(%arg16 : memref<16xf32, #tpu.memory_space<vmem>>)
      tpu.yield
    }) : () -> ()
    %barrier3A = arith.constant 0 : index
    tpu.barrier barrier_id(%barrier3A)
    %scan3A = arith.constant 0 : i32
    %scan3A_3 = arith.constant 0 : i32
    %scan3A_4 = arith.constant 125 : i32
    %scan3A_5 = arith.addi %scan3A_3, %scan3A_4 : i32
    %scan3A_6 = arith.constant 1 : i32
    scf.for %scan3A_9 = %scan3A_3 to %scan3A_5 step %scan3A_6  : i32 {
      "tpu.region"() ({
        %run_scoped3A = tpu.sem_alloc : memref<!tpu.dma_semaphore, #tpu.memory_space<semaphore_mem>>
        %dma_start3A_27 = arith.constant 0 : i32
        %dma_start3A_28 = tpu.memref_slice %arg2[%add3A, %scan3A_9, %dma_start3A_27] : memref<32x125x80xi32, #tpu.memory_space<hbm>> -> memref<1x1x80xi32, #tpu.memory_space<hbm>>
        %dma_start3A_29 = tpu.memref_squeeze %dma_start3A_28 : memref<1x1x80xi32, #tpu.memory_space<hbm>> -> memref<80xi32, #tpu.memory_space<hbm>>
        %dma_start3A_30 = arith.constant 0 : i32
        %dma_start3A_31 = tpu.memref_slice %arg2[%add3A, %scan3A_9, %dma_start3A_30] : memref<32x125x80xi32, #tpu.memory_space<hbm>> -> memref<1x1x80xi32, #tpu.memory_space<hbm>>
        %dma_start3A_32 = tpu.memref_squeeze %dma_start3A_31 : memref<1x1x80xi32, #tpu.memory_space<hbm>> -> memref<80xi32, #tpu.memory_space<hbm>>
        tpu.enqueue_dma source(%dma_start3A_32 : memref<80xi32, #tpu.memory_space<hbm>>) target(%arg12 : memref<80xi32, #tpu.memory_space<vmem>>) target_semaphore(%run_scoped3A : memref<!tpu.dma_semaphore, #tpu.memory_space<semaphore_mem>>)
        %dma_wait3A_33 = arith.constant 0 : i32
        %dma_wait3A_34 = tpu.memref_slice %arg2[%add3A, %scan3A_9, %dma_wait3A_33] : memref<32x125x80xi32, #tpu.memory_space<hbm>> -> memref<1x1x80xi32, #tpu.memory_space<hbm>>
        %dma_wait3A_35 = tpu.memref_squeeze %dma_wait3A_34 : memref<1x1x80xi32, #tpu.memory_space<hbm>> -> memref<80xi32, #tpu.memory_space<hbm>>
        %dma_wait3A_36 = arith.constant 0 : i32
        %dma_wait3A_37 = tpu.memref_slice %arg2[%add3A, %scan3A_9, %dma_wait3A_36] : memref<32x125x80xi32, #tpu.memory_space<hbm>> -> memref<1x1x80xi32, #tpu.memory_space<hbm>>
        %dma_wait3A_38 = tpu.memref_squeeze %dma_wait3A_37 : memref<1x1x80xi32, #tpu.memory_space<hbm>> -> memref<80xi32, #tpu.memory_space<hbm>>
        tpu.wait_dma2 semaphore(%run_scoped3A : memref<!tpu.dma_semaphore, #tpu.memory_space<semaphore_mem>>) src(%dma_wait3A_38 : memref<80xi32, #tpu.memory_space<hbm>>) dst(%arg12 : memref<80xi32, #tpu.memory_space<vmem>>)
        tpu.yield
      }) : () -> ()
      "tpu.region"() ({
        %run_scoped3A = tpu.sem_alloc : memref<!tpu.dma_semaphore, #tpu.memory_space<semaphore_mem>>
        %dma_start3A_27 = arith.constant 0 : i32
        %dma_start3A_28 = tpu.memref_slice %arg3[%add3A, %scan3A_9, %dma_start3A_27] : memref<32x125x80xi32, #tpu.memory_space<hbm>> -> memref<1x1x80xi32, #tpu.memory_space<hbm>>
        %dma_start3A_29 = tpu.memref_squeeze %dma_start3A_28 : memref<1x1x80xi32, #tpu.memory_space<hbm>> -> memref<80xi32, #tpu.memory_space<hbm>>
        %dma_start3A_30 = arith.constant 0 : i32
        %dma_start3A_31 = tpu.memref_slice %arg3[%add3A, %scan3A_9, %dma_start3A_30] : memref<32x125x80xi32, #tpu.memory_space<hbm>> -> memref<1x1x80xi32, #tpu.memory_space<hbm>>
        %dma_start3A_32 = tpu.memref_squeeze %dma_start3A_31 : memref<1x1x80xi32, #tpu.memory_space<hbm>> -> memref<80xi32, #tpu.memory_space<hbm>>
        tpu.enqueue_dma source(%dma_start3A_32 : memref<80xi32, #tpu.memory_space<hbm>>) target(%arg13 : memref<80xi32, #tpu.memory_space<vmem>>) target_semaphore(%run_scoped3A : memref<!tpu.dma_semaphore, #tpu.memory_space<semaphore_mem>>)
        %dma_wait3A_33 = arith.constant 0 : i32
        %dma_wait3A_34 = tpu.memref_slice %arg3[%add3A, %scan3A_9, %dma_wait3A_33] : memref<32x125x80xi32, #tpu.memory_space<hbm>> -> memref<1x1x80xi32, #tpu.memory_space<hbm>>
        %dma_wait3A_35 = tpu.memref_squeeze %dma_wait3A_34 : memref<1x1x80xi32, #tpu.memory_space<hbm>> -> memref<80xi32, #tpu.memory_space<hbm>>
        %dma_wait3A_36 = arith.constant 0 : i32
        %dma_wait3A_37 = tpu.memref_slice %arg3[%add3A, %scan3A_9, %dma_wait3A_36] : memref<32x125x80xi32, #tpu.memory_space<hbm>> -> memref<1x1x80xi32, #tpu.memory_space<hbm>>
        %dma_wait3A_38 = tpu.memref_squeeze %dma_wait3A_37 : memref<1x1x80xi32, #tpu.memory_space<hbm>> -> memref<80xi32, #tpu.memory_space<hbm>>
        tpu.wait_dma2 semaphore(%run_scoped3A : memref<!tpu.dma_semaphore, #tpu.memory_space<semaphore_mem>>) src(%dma_wait3A_38 : memref<80xi32, #tpu.memory_space<hbm>>) dst(%arg13 : memref<80xi32, #tpu.memory_space<vmem>>)
        tpu.yield
      }) : () -> ()
      %dma_start3A = arith.constant 0 : i32
      %dma_start3A_10 = arith.constant 0 : i32
      %dma_start3A_11 = tpu.memref_slice %arg4[%dma_start3A, %dma_start3A_10] : memref<10000x128xf32, #tpu.memory_space<hbm>> -> memref<10000x128xf32, #tpu.memory_space<hbm>>
      tpu.enqueue_indirect_dma source(%dma_start3A_11 : memref<10000x128xf32, #tpu.memory_space<hbm>>) target(%arg14 : memref<80x128xf32, #tpu.memory_space<vmem>>) offsets(%arg12 : memref<80xi32, #tpu.memory_space<vmem>>) semaphore(%arg21 : memref<!tpu.dma_semaphore, #tpu.memory_space<semaphore_mem>>)
      %get3A = arith.constant 0 : index
      %get3A_12 = tpu.vector_load %arg16[%get3A] {strides = array<i32>} : memref<16xf32, #tpu.memory_space<vmem>>, vector<16xf32>,
      %scan3A_13 = arith.constant 0 : i32
      %scan3A_14 = arith.constant 0 : i32
      %scan3A_15 = arith.constant 5 : i32
      %scan3A_16 = arith.addi %scan3A_14, %scan3A_15 : i32
      %scan3A_17 = arith.constant 1 : i32
      scf.for %scan3A_27 = %scan3A_14 to %scan3A_16 step %scan3A_17  : i32 {
        %mul3A_28 = arith.constant 16 : i32
        %mul3A_29 = arith.muli %scan3A_27, %mul3A_28 : i32
        %get3A_30 = arith.index_cast %mul3A_29 : i32 to index
        %get3A_31 = tpu.vector_load %arg12[%get3A_30] {strides = array<i32>} : memref<80xi32, #tpu.memory_space<vmem>>, vector<16xi32>,
        %get3A_32 = arith.index_cast %mul3A_29 : i32 to index
        %get3A_33 = tpu.vector_load %arg13[%get3A_32] {strides = array<i32>} : memref<80xi32, #tpu.memory_space<vmem>>, vector<16xi32>,
        %gather3A = tpu.vector_load_idx %arg17[%get3A_31] : memref<10240xf32, #tpu.memory_space<vmem>>[vector<16xi32>], vector<16xf32>,
        %gather3A_34 = tpu.vector_load_idx %arg18[%get3A_33] : memref<10240xf32, #tpu.memory_space<vmem>>[vector<16xi32>], vector<16xf32>,
        %add3A_35 = arith.addf %gather3A, %gather3A_34 : vector<16xf32>
        %gt3A = arith.constant 0.000000e+00 : f32
        %gt3A_36 = vector.broadcast %gt3A : f32 to vector<16xf32>
        %gt3A_37 = arith.cmpf ogt, %add3A_35, %gt3A_36 : vector<16xf32>
        %mul3A_38 = arith.constant 0.00999999977 : f32
        %mul3A_39 = vector.broadcast %mul3A_38 : f32 to vector<16xf32>
        %mul3A_40 = arith.mulf %add3A_35, %mul3A_39 : vector<16xf32>
        %select_n3A = arith.select %gt3A_37, %add3A_35, %mul3A_40 : vector<16xi1>, vector<16xf32>
        %add3A_41 = arith.addf %get3A_12, %gather3A_34 : vector<16xf32>
        %gt3A_42 = arith.constant 0.000000e+00 : f32
        %gt3A_43 = vector.broadcast %gt3A_42 : f32 to vector<16xf32>
        %gt3A_44 = arith.cmpf ogt, %add3A_41, %gt3A_43 : vector<16xf32>
        %mul3A_45 = arith.constant 0.00999999977 : f32
        %mul3A_46 = vector.broadcast %mul3A_45 : f32 to vector<16xf32>
        %mul3A_47 = arith.mulf %add3A_41, %mul3A_46 : vector<16xf32>
        %select_n3A_48 = arith.select %gt3A_44, %add3A_41, %mul3A_47 : vector<16xi1>, vector<16xf32>
        %sub3A = arith.subf %select_n3A, %select_n3A_48 : vector<16xf32>
        %exp3A = math.exp %sub3A : vector<16xf32>
        %swap3A = arith.index_cast %mul3A_29 : i32 to index
        %swap3A_49 = tpu.vector_load %arg15[%swap3A] {strides = array<i32>} : memref<80xf32, #tpu.memory_space<vmem>>, vector<16xf32>,
        tpu.vector_store %arg15[%swap3A], %exp3A {strides = array<i32>} : memref<80xf32, #tpu.memory_space<vmem>>, vector<16xf32>,
        tpu.vector_store_idx %arg19[%get3A_33], %exp3A {add = true} : memref<10240xf32, #tpu.memory_space<vmem>>[vector<16xi32>], vector<16xf32>,
      }
      %scan3A_18 = arith.constant 5 : i32
      %dma_wait3A = arith.constant 0 : i32
      %dma_wait3A_19 = arith.constant 0 : i32
      %dma_wait3A_20 = tpu.memref_slice %arg4[%dma_wait3A, %dma_wait3A_19] : memref<10000x128xf32, #tpu.memory_space<hbm>> -> memref<10000x128xf32, #tpu.memory_space<hbm>>
      tpu.wait_indirect_dma semaphore(%arg21 : memref<!tpu.dma_semaphore, #tpu.memory_space<semaphore_mem>>) src(%dma_wait3A_20 : memref<10000x128xf32, #tpu.memory_space<hbm>>) dst(%arg14 : memref<80x128xf32, #tpu.memory_space<vmem>>)
      %scan3A_21 = arith.constant 0 : i32
      %scan3A_22 = arith.constant 0 : i32
      %scan3A_23 = arith.constant 80 : i32
      %scan3A_24 = arith.addi %scan3A_22, %scan3A_23 : i32
      %scan3A_25 = arith.constant 1 : i32
      scf.for %scan3A_27 = %scan3A_22 to %scan3A_24 step %scan3A_25  : i32 {
        %broadcast_in_dim3A = vector.broadcast %scan3A_27 : i32 to vector<16xi32>
        %gather3A = tpu.vector_load_idx %arg15[%broadcast_in_dim3A] : memref<80xf32, #tpu.memory_space<vmem>>[vector<16xi32>], vector<16xf32>,
        %scan3A_28 = arith.constant 0 : i32
        %scan3A_29 = arith.constant 0 : i32
        %scan3A_30 = arith.constant 8 : i32
        %scan3A_31 = arith.addi %scan3A_29, %scan3A_30 : i32
        %scan3A_32 = arith.constant 1 : i32
        scf.for %scan3A_34 = %scan3A_29 to %scan3A_31 step %scan3A_32  : i32 {
          %mul3A_35 = arith.constant 16 : i32
          %mul3A_36 = arith.muli %scan3A_34, %mul3A_35 : i32
          %get3A_37 = arith.index_cast %scan3A_27 : i32 to index
          %get3A_38 = arith.index_cast %mul3A_36 : i32 to index
          %get3A_39 = tpu.vector_load %arg14[%get3A_37, %get3A_38] {strides = array<i32>} : memref<80x128xf32, #tpu.memory_space<vmem>>, vector<16xf32>,
          %mul3A_40 = arith.mulf %get3A_39, %gather3A : vector<16xf32>
          %swap3A = arith.index_cast %scan3A_27 : i32 to index
          %swap3A_41 = arith.index_cast %mul3A_36 : i32 to index
          %swap3A_42 = tpu.vector_load %arg14[%swap3A, %swap3A_41] {strides = array<i32>} : memref<80x128xf32, #tpu.memory_space<vmem>>, vector<16xf32>,
          tpu.vector_store %arg14[%swap3A, %swap3A_41], %mul3A_40 {strides = array<i32>} : memref<80x128xf32, #tpu.memory_space<vmem>>, vector<16xf32>,
        }
        %scan3A_33 = arith.constant 8 : i32
      }
      %scan3A_26 = arith.constant 80 : i32
      "tpu.region"() ({
        %run_scoped3A = tpu.sem_alloc : memref<!tpu.dma_semaphore, #tpu.memory_space<semaphore_mem>>
        %dma_start3A_27 = arith.constant 0 : i32
        %dma_start3A_28 = arith.constant 0 : i32
        %dma_start3A_29 = tpu.memref_slice %arg20[%dma_start3A_27, %dma_start3A_28] : memref<10240x128xf32, #tpu.memory_space<vmem_shared>> -> memref<10240x128xf32, #tpu.memory_space<vmem_shared>>
        tpu.enqueue_indirect_dma source(%arg14 : memref<80x128xf32, #tpu.memory_space<vmem>>) target(%dma_start3A_29 : memref<10240x128xf32, #tpu.memory_space<vmem_shared>>) offsets(%arg13 : memref<80xi32, #tpu.memory_space<vmem>>) semaphore(%run_scoped3A : memref<!tpu.dma_semaphore, #tpu.memory_space<semaphore_mem>>) {add = true}
        %dma_wait3A_30 = arith.constant 0 : i32
        %dma_wait3A_31 = arith.constant 0 : i32
        %dma_wait3A_32 = tpu.memref_slice %arg20[%dma_wait3A_30, %dma_wait3A_31] : memref<10240x128xf32, #tpu.memory_space<vmem_shared>> -> memref<10240x128xf32, #tpu.memory_space<vmem_shared>>
        tpu.wait_indirect_dma semaphore(%run_scoped3A : memref<!tpu.dma_semaphore, #tpu.memory_space<semaphore_mem>>) src(%arg14 : memref<80x128xf32, #tpu.memory_space<vmem>>) dst(%dma_wait3A_32 : memref<10240x128xf32, #tpu.memory_space<vmem_shared>>)
        tpu.yield
      }) : () -> ()
    }
    %scan3A_7 = arith.constant 125 : i32
    %barrier3A_8 = arith.constant 0 : index
    tpu.barrier barrier_id(%barrier3A_8)
    "tpu.region"() ({
      %run_scoped3A = tpu.sem_alloc : memref<!tpu.dma_semaphore, #tpu.memory_space<semaphore_mem>>
      %dma_start3A = arith.constant 0 : i32
      %dma_start3A_9 = tpu.memref_slice %arg10[%arg0, %multiple_of3A, %dma_start3A] : memref<2x10240x128xf32, #tpu.memory_space<hbm>> -> memref<1x640x128xf32, #tpu.memory_space<hbm>>
      %dma_start3A_10 = tpu.memref_squeeze %dma_start3A_9 : memref<1x640x128xf32, #tpu.memory_space<hbm>> -> memref<640x128xf32, #tpu.memory_space<hbm>>
      %dma_start3A_11 = arith.constant 0 : i32
      %dma_start3A_12 = tpu.memref_slice %arg20[%multiple_of3A, %dma_start3A_11] : memref<10240x128xf32, #tpu.memory_space<vmem_shared>> -> memref<640x128xf32, #tpu.memory_space<vmem_shared>>
      tpu.enqueue_dma source(%dma_start3A_12 : memref<640x128xf32, #tpu.memory_space<vmem_shared>>) target(%dma_start3A_10 : memref<640x128xf32, #tpu.memory_space<hbm>>) target_semaphore(%run_scoped3A : memref<!tpu.dma_semaphore, #tpu.memory_space<semaphore_mem>>)
      %dma_wait3A = arith.constant 0 : i32
      %dma_wait3A_13 = tpu.memref_slice %arg10[%arg0, %multiple_of3A, %dma_wait3A] : memref<2x10240x128xf32, #tpu.memory_space<hbm>> -> memref<1x640x128xf32, #tpu.memory_space<hbm>>
      %dma_wait3A_14 = tpu.memref_squeeze %dma_wait3A_13 : memref<1x640x128xf32, #tpu.memory_space<hbm>> -> memref<640x128xf32, #tpu.memory_space<hbm>>
      %dma_wait3A_15 = arith.constant 0 : i32
      %dma_wait3A_16 = tpu.memref_slice %arg20[%multiple_of3A, %dma_wait3A_15] : memref<10240x128xf32, #tpu.memory_space<vmem_shared>> -> memref<640x128xf32, #tpu.memory_space<vmem_shared>>
      tpu.wait_dma2 semaphore(%run_scoped3A : memref<!tpu.dma_semaphore, #tpu.memory_space<semaphore_mem>>) src(%dma_wait3A_16 : memref<640x128xf32, #tpu.memory_space<vmem_shared>>) dst(%dma_wait3A_14 : memref<640x128xf32, #tpu.memory_space<hbm>>)
      tpu.yield
    }) : () -> ()
    "tpu.region"() ({
      %run_scoped3A = tpu.sem_alloc : memref<!tpu.dma_semaphore, #tpu.memory_space<semaphore_mem>>
      %dma_start3A = arith.constant 0 : i32
      %dma_start3A_9 = tpu.memref_slice %arg11[%arg0, %arg1, %dma_start3A] : memref<2x16x10240xf32, #tpu.memory_space<hbm>> -> memref<1x1x10240xf32, #tpu.memory_space<hbm>>
      %dma_start3A_10 = tpu.memref_squeeze %dma_start3A_9 : memref<1x1x10240xf32, #tpu.memory_space<hbm>> -> memref<10240xf32, #tpu.memory_space<hbm>>
      %dma_start3A_11 = arith.constant 0 : i32
      %dma_start3A_12 = tpu.memref_slice %arg11[%arg0, %arg1, %dma_start3A_11] : memref<2x16x10240xf32, #tpu.memory_space<hbm>> -> memref<1x1x10240xf32, #tpu.memory_space<hbm>>
      %dma_start3A_13 = tpu.memref_squeeze %dma_start3A_12 : memref<1x1x10240xf32, #tpu.memory_space<hbm>> -> memref<10240xf32, #tpu.memory_space<hbm>>
      tpu.enqueue_dma source(%arg19 : memref<10240xf32, #tpu.memory_space<vmem>>) target(%dma_start3A_13 : memref<10240xf32, #tpu.memory_space<hbm>>) target_semaphore(%run_scoped3A : memref<!tpu.dma_semaphore, #tpu.memory_space<semaphore_mem>>)
      %dma_wait3A = arith.constant 0 : i32
      %dma_wait3A_14 = tpu.memref_slice %arg11[%arg0, %arg1, %dma_wait3A] : memref<2x16x10240xf32, #tpu.memory_space<hbm>> -> memref<1x1x10240xf32, #tpu.memory_space<hbm>>
      %dma_wait3A_15 = tpu.memref_squeeze %dma_wait3A_14 : memref<1x1x10240xf32, #tpu.memory_space<hbm>> -> memref<10240xf32, #tpu.memory_space<hbm>>
      %dma_wait3A_16 = arith.constant 0 : i32
      %dma_wait3A_17 = tpu.memref_slice %arg11[%arg0, %arg1, %dma_wait3A_16] : memref<2x16x10240xf32, #tpu.memory_space<hbm>> -> memref<1x1x10240xf32, #tpu.memory_space<hbm>>
      %dma_wait3A_18 = tpu.memref_squeeze %dma_wait3A_17 : memref<1x1x10240xf32, #tpu.memory_space<hbm>> -> memref<10240xf32, #tpu.memory_space<hbm>>
      tpu.wait_dma2 semaphore(%run_scoped3A : memref<!tpu.dma_semaphore, #tpu.memory_space<semaphore_mem>>) src(%arg19 : memref<10240xf32, #tpu.memory_space<vmem>>) dst(%dma_wait3A_18 : memref<10240xf32, #tpu.memory_space<hbm>>)
      tpu.yield
    }) : () -> ()
    return
  }
}

#map = affine_map<(d0, d1) -> (0, 0, 0)>
#map1 = affine_map<(d0, d1) -> (0, 0)>
module attributes {stable_mosaic.version = 14 : i64} {
  func.func @_k3_body(%arg0: i32, %arg1: i32, %arg2: memref<32x125x80xi32, #tpu.memory_space<hbm>>, %arg3: memref<32x125x80xi32, #tpu.memory_space<hbm>>, %arg4: memref<10000x256xf32, #tpu.memory_space<hbm>>, %arg5: memref<10000x128xf32, #tpu.memory_space<hbm>>, %arg6: memref<640x128xf32, #tpu.memory_space<hbm>>, %arg7: memref<2x10240x128xf32, #tpu.memory_space<hbm>>, %arg8: memref<80xi32, #tpu.memory_space<vmem>>, %arg9: memref<80xi32, #tpu.memory_space<vmem>>, %arg10: memref<80x256xf32, #tpu.memory_space<vmem>>, %arg11: memref<80x128xf32, #tpu.memory_space<vmem>>, %arg12: memref<10240x128xf32, #tpu.memory_space<vmem_shared>>, %arg13: memref<!tpu.dma_semaphore, #tpu.memory_space<semaphore_mem>>, %arg14: memref<!tpu.dma_semaphore, #tpu.memory_space<semaphore_mem>>) attributes {dimension_semantics = [#tpu.dimension_semantics<core_parallel>, #tpu.dimension_semantics<subcore_parallel>], iteration_bounds = array<i64: 2, 16>, scalar_prefetch = 0 : i64, scratch_operands = 7 : i64, tpu.core_type = #tpu.core_type<sc_vector_subcore>, window_params = [{transform_indices = #map}, {transform_indices = #map}, {transform_indices = #map1}, {transform_indices = #map1}, {transform_indices = #map1}, {transform_indices = #map}]} {
    %mul3A = arith.constant 2 : i32
    %mul3A_0 = arith.muli %arg1, %mul3A : i32
    %add3A = arith.addi %mul3A_0, %arg0 : i32
    %mul3A_1 = arith.constant 640 : i32
    %mul3A_2 = arith.muli %arg1, %mul3A_1 : i32
    %multiple_of3A = tpu.assume_multiple %mul3A_2, 8 : i32
    "tpu.region"() ({
      %run_scoped3A = tpu.sem_alloc : memref<!tpu.dma_semaphore, #tpu.memory_space<semaphore_mem>>
      %dma_start3A = arith.constant 0 : i32
      %dma_start3A_9 = tpu.memref_slice %arg12[%multiple_of3A, %dma_start3A] : memref<10240x128xf32, #tpu.memory_space<vmem_shared>> -> memref<640x128xf32, #tpu.memory_space<vmem_shared>>
      tpu.enqueue_dma source(%arg6 : memref<640x128xf32, #tpu.memory_space<hbm>>) target(%dma_start3A_9 : memref<640x128xf32, #tpu.memory_space<vmem_shared>>) target_semaphore(%run_scoped3A : memref<!tpu.dma_semaphore, #tpu.memory_space<semaphore_mem>>)
      %dma_wait3A = arith.constant 0 : i32
      %dma_wait3A_10 = tpu.memref_slice %arg12[%multiple_of3A, %dma_wait3A] : memref<10240x128xf32, #tpu.memory_space<vmem_shared>> -> memref<640x128xf32, #tpu.memory_space<vmem_shared>>
      tpu.wait_dma2 semaphore(%run_scoped3A : memref<!tpu.dma_semaphore, #tpu.memory_space<semaphore_mem>>) src(%arg6 : memref<640x128xf32, #tpu.memory_space<hbm>>) dst(%dma_wait3A_10 : memref<640x128xf32, #tpu.memory_space<vmem_shared>>)
      tpu.yield
    }) : () -> ()
    %barrier3A = arith.constant 0 : index
    tpu.barrier barrier_id(%barrier3A)
    %scan3A = arith.constant 0 : i32
    %scan3A_3 = arith.constant 0 : i32
    %scan3A_4 = arith.constant 125 : i32
    %scan3A_5 = arith.addi %scan3A_3, %scan3A_4 : i32
    %scan3A_6 = arith.constant 1 : i32
    scf.for %scan3A_9 = %scan3A_3 to %scan3A_5 step %scan3A_6  : i32 {
      "tpu.region"() ({
        %run_scoped3A = tpu.sem_alloc : memref<!tpu.dma_semaphore, #tpu.memory_space<semaphore_mem>>
        %dma_start3A_26 = arith.constant 0 : i32
        %dma_start3A_27 = tpu.memref_slice %arg2[%add3A, %scan3A_9, %dma_start3A_26] : memref<32x125x80xi32, #tpu.memory_space<hbm>> -> memref<1x1x80xi32, #tpu.memory_space<hbm>>
        %dma_start3A_28 = tpu.memref_squeeze %dma_start3A_27 : memref<1x1x80xi32, #tpu.memory_space<hbm>> -> memref<80xi32, #tpu.memory_space<hbm>>
        %dma_start3A_29 = arith.constant 0 : i32
        %dma_start3A_30 = tpu.memref_slice %arg2[%add3A, %scan3A_9, %dma_start3A_29] : memref<32x125x80xi32, #tpu.memory_space<hbm>> -> memref<1x1x80xi32, #tpu.memory_space<hbm>>
        %dma_start3A_31 = tpu.memref_squeeze %dma_start3A_30 : memref<1x1x80xi32, #tpu.memory_space<hbm>> -> memref<80xi32, #tpu.memory_space<hbm>>
        tpu.enqueue_dma source(%dma_start3A_31 : memref<80xi32, #tpu.memory_space<hbm>>) target(%arg8 : memref<80xi32, #tpu.memory_space<vmem>>) target_semaphore(%run_scoped3A : memref<!tpu.dma_semaphore, #tpu.memory_space<semaphore_mem>>)
        %dma_wait3A_32 = arith.constant 0 : i32
        %dma_wait3A_33 = tpu.memref_slice %arg2[%add3A, %scan3A_9, %dma_wait3A_32] : memref<32x125x80xi32, #tpu.memory_space<hbm>> -> memref<1x1x80xi32, #tpu.memory_space<hbm>>
        %dma_wait3A_34 = tpu.memref_squeeze %dma_wait3A_33 : memref<1x1x80xi32, #tpu.memory_space<hbm>> -> memref<80xi32, #tpu.memory_space<hbm>>
        %dma_wait3A_35 = arith.constant 0 : i32
        %dma_wait3A_36 = tpu.memref_slice %arg2[%add3A, %scan3A_9, %dma_wait3A_35] : memref<32x125x80xi32, #tpu.memory_space<hbm>> -> memref<1x1x80xi32, #tpu.memory_space<hbm>>
        %dma_wait3A_37 = tpu.memref_squeeze %dma_wait3A_36 : memref<1x1x80xi32, #tpu.memory_space<hbm>> -> memref<80xi32, #tpu.memory_space<hbm>>
        tpu.wait_dma2 semaphore(%run_scoped3A : memref<!tpu.dma_semaphore, #tpu.memory_space<semaphore_mem>>) src(%dma_wait3A_37 : memref<80xi32, #tpu.memory_space<hbm>>) dst(%arg8 : memref<80xi32, #tpu.memory_space<vmem>>)
        tpu.yield
      }) : () -> ()
      "tpu.region"() ({
        %run_scoped3A = tpu.sem_alloc : memref<!tpu.dma_semaphore, #tpu.memory_space<semaphore_mem>>
        %dma_start3A_26 = arith.constant 0 : i32
        %dma_start3A_27 = tpu.memref_slice %arg3[%add3A, %scan3A_9, %dma_start3A_26] : memref<32x125x80xi32, #tpu.memory_space<hbm>> -> memref<1x1x80xi32, #tpu.memory_space<hbm>>
        %dma_start3A_28 = tpu.memref_squeeze %dma_start3A_27 : memref<1x1x80xi32, #tpu.memory_space<hbm>> -> memref<80xi32, #tpu.memory_space<hbm>>
        %dma_start3A_29 = arith.constant 0 : i32
        %dma_start3A_30 = tpu.memref_slice %arg3[%add3A, %scan3A_9, %dma_start3A_29] : memref<32x125x80xi32, #tpu.memory_space<hbm>> -> memref<1x1x80xi32, #tpu.memory_space<hbm>>
        %dma_start3A_31 = tpu.memref_squeeze %dma_start3A_30 : memref<1x1x80xi32, #tpu.memory_space<hbm>> -> memref<80xi32, #tpu.memory_space<hbm>>
        tpu.enqueue_dma source(%dma_start3A_31 : memref<80xi32, #tpu.memory_space<hbm>>) target(%arg9 : memref<80xi32, #tpu.memory_space<vmem>>) target_semaphore(%run_scoped3A : memref<!tpu.dma_semaphore, #tpu.memory_space<semaphore_mem>>)
        %dma_wait3A_32 = arith.constant 0 : i32
        %dma_wait3A_33 = tpu.memref_slice %arg3[%add3A, %scan3A_9, %dma_wait3A_32] : memref<32x125x80xi32, #tpu.memory_space<hbm>> -> memref<1x1x80xi32, #tpu.memory_space<hbm>>
        %dma_wait3A_34 = tpu.memref_squeeze %dma_wait3A_33 : memref<1x1x80xi32, #tpu.memory_space<hbm>> -> memref<80xi32, #tpu.memory_space<hbm>>
        %dma_wait3A_35 = arith.constant 0 : i32
        %dma_wait3A_36 = tpu.memref_slice %arg3[%add3A, %scan3A_9, %dma_wait3A_35] : memref<32x125x80xi32, #tpu.memory_space<hbm>> -> memref<1x1x80xi32, #tpu.memory_space<hbm>>
        %dma_wait3A_37 = tpu.memref_squeeze %dma_wait3A_36 : memref<1x1x80xi32, #tpu.memory_space<hbm>> -> memref<80xi32, #tpu.memory_space<hbm>>
        tpu.wait_dma2 semaphore(%run_scoped3A : memref<!tpu.dma_semaphore, #tpu.memory_space<semaphore_mem>>) src(%dma_wait3A_37 : memref<80xi32, #tpu.memory_space<hbm>>) dst(%arg9 : memref<80xi32, #tpu.memory_space<vmem>>)
        tpu.yield
      }) : () -> ()
      %dma_start3A = arith.constant 0 : i32
      %dma_start3A_10 = arith.constant 0 : i32
      %dma_start3A_11 = tpu.memref_slice %arg4[%dma_start3A, %dma_start3A_10] : memref<10000x256xf32, #tpu.memory_space<hbm>> -> memref<10000x256xf32, #tpu.memory_space<hbm>>
      tpu.enqueue_indirect_dma source(%dma_start3A_11 : memref<10000x256xf32, #tpu.memory_space<hbm>>) target(%arg10 : memref<80x256xf32, #tpu.memory_space<vmem>>) offsets(%arg8 : memref<80xi32, #tpu.memory_space<vmem>>) semaphore(%arg13 : memref<!tpu.dma_semaphore, #tpu.memory_space<semaphore_mem>>)
      %dma_start3A_12 = arith.constant 0 : i32
      %dma_start3A_13 = arith.constant 0 : i32
      %dma_start3A_14 = tpu.memref_slice %arg5[%dma_start3A_12, %dma_start3A_13] : memref<10000x128xf32, #tpu.memory_space<hbm>> -> memref<10000x128xf32, #tpu.memory_space<hbm>>
      tpu.enqueue_indirect_dma source(%dma_start3A_14 : memref<10000x128xf32, #tpu.memory_space<hbm>>) target(%arg11 : memref<80x128xf32, #tpu.memory_space<vmem>>) offsets(%arg9 : memref<80xi32, #tpu.memory_space<vmem>>) semaphore(%arg14 : memref<!tpu.dma_semaphore, #tpu.memory_space<semaphore_mem>>)
      %dma_wait3A = arith.constant 0 : i32
      %dma_wait3A_15 = arith.constant 0 : i32
      %dma_wait3A_16 = tpu.memref_slice %arg4[%dma_wait3A, %dma_wait3A_15] : memref<10000x256xf32, #tpu.memory_space<hbm>> -> memref<10000x256xf32, #tpu.memory_space<hbm>>
      tpu.wait_indirect_dma semaphore(%arg13 : memref<!tpu.dma_semaphore, #tpu.memory_space<semaphore_mem>>) src(%dma_wait3A_16 : memref<10000x256xf32, #tpu.memory_space<hbm>>) dst(%arg10 : memref<80x256xf32, #tpu.memory_space<vmem>>)
      %dma_wait3A_17 = arith.constant 0 : i32
      %dma_wait3A_18 = arith.constant 0 : i32
      %dma_wait3A_19 = tpu.memref_slice %arg5[%dma_wait3A_17, %dma_wait3A_18] : memref<10000x128xf32, #tpu.memory_space<hbm>> -> memref<10000x128xf32, #tpu.memory_space<hbm>>
      tpu.wait_indirect_dma semaphore(%arg14 : memref<!tpu.dma_semaphore, #tpu.memory_space<semaphore_mem>>) src(%dma_wait3A_19 : memref<10000x128xf32, #tpu.memory_space<hbm>>) dst(%arg11 : memref<80x128xf32, #tpu.memory_space<vmem>>)
      %scan3A_20 = arith.constant 0 : i32
      %scan3A_21 = arith.constant 0 : i32
      %scan3A_22 = arith.constant 80 : i32
      %scan3A_23 = arith.addi %scan3A_21, %scan3A_22 : i32
      %scan3A_24 = arith.constant 1 : i32
      scf.for %scan3A_26 = %scan3A_21 to %scan3A_23 step %scan3A_24  : i32 {
        %scan3A_27 = arith.constant 0 : i32
        %scan3A_28 = arith.constant 0 : i32
        %scan3A_29 = arith.constant 8 : i32
        %scan3A_30 = arith.addi %scan3A_28, %scan3A_29 : i32
        %scan3A_31 = arith.constant 1 : i32
        scf.for %scan3A_33 = %scan3A_28 to %scan3A_30 step %scan3A_31  : i32 {
          %mul3A_34 = arith.constant 16 : i32
          %mul3A_35 = arith.muli %scan3A_33, %mul3A_34 : i32
          %get3A = arith.index_cast %scan3A_26 : i32 to index
          %get3A_36 = arith.index_cast %mul3A_35 : i32 to index
          %get3A_37 = tpu.vector_load %arg10[%get3A, %get3A_36] {strides = array<i32>} : memref<80x256xf32, #tpu.memory_space<vmem>>, vector<16xf32>,
          %get3A_38 = arith.index_cast %scan3A_26 : i32 to index
          %get3A_39 = arith.index_cast %mul3A_35 : i32 to index
          %get3A_40 = tpu.vector_load %arg11[%get3A_38, %get3A_39] {strides = array<i32>} : memref<80x128xf32, #tpu.memory_space<vmem>>, vector<16xf32>,
          %add3A_41 = arith.addf %get3A_37, %get3A_40 : vector<16xf32>
          %neg3A = arith.constant 0.000000e+00 : f32
          %neg3A_42 = vector.broadcast %neg3A : f32 to vector<16xf32>
          %neg3A_43 = arith.subf %neg3A_42, %add3A_41 : vector<16xf32>
          %exp3A = math.exp %neg3A_43 : vector<16xf32>
          %add3A_44 = arith.constant 1.000000e+00 : f32
          %add3A_45 = vector.broadcast %add3A_44 : f32 to vector<16xf32>
          %add3A_46 = arith.addf %add3A_45, %exp3A : vector<16xf32>
          %div3A = arith.constant 1.000000e+00 : f32
          %div3A_47 = vector.broadcast %div3A : f32 to vector<16xf32>
          %div3A_48 = arith.divf %div3A_47, %add3A_46 : vector<16xf32>
          %mul3A_49 = arith.constant 16 : i32
          %mul3A_50 = arith.muli %scan3A_33, %mul3A_49 : i32
          %add3A_51 = arith.constant 128 : i32
          %add3A_52 = arith.addi %add3A_51, %mul3A_50 : i32
          %get3A_53 = arith.index_cast %scan3A_26 : i32 to index
          %get3A_54 = arith.index_cast %add3A_52 : i32 to index
          %get3A_55 = tpu.vector_load %arg10[%get3A_53, %get3A_54] {strides = array<i32>} : memref<80x256xf32, #tpu.memory_space<vmem>>, vector<16xf32>,
          %mul3A_56 = arith.mulf %div3A_48, %get3A_55 : vector<16xf32>
          %swap3A = arith.index_cast %scan3A_26 : i32 to index
          %swap3A_57 = arith.index_cast %mul3A_35 : i32 to index
          %swap3A_58 = tpu.vector_load %arg11[%swap3A, %swap3A_57] {strides = array<i32>} : memref<80x128xf32, #tpu.memory_space<vmem>>, vector<16xf32>,
          tpu.vector_store %arg11[%swap3A, %swap3A_57], %mul3A_56 {strides = array<i32>} : memref<80x128xf32, #tpu.memory_space<vmem>>, vector<16xf32>,
        }
        %scan3A_32 = arith.constant 8 : i32
      }
      %scan3A_25 = arith.constant 80 : i32
      "tpu.region"() ({
        %run_scoped3A = tpu.sem_alloc : memref<!tpu.dma_semaphore, #tpu.memory_space<semaphore_mem>>
        %dma_start3A_26 = arith.constant 0 : i32
        %dma_start3A_27 = arith.constant 0 : i32
        %dma_start3A_28 = tpu.memref_slice %arg12[%dma_start3A_26, %dma_start3A_27] : memref<10240x128xf32, #tpu.memory_space<vmem_shared>> -> memref<10240x128xf32, #tpu.memory_space<vmem_shared>>
        tpu.enqueue_indirect_dma source(%arg11 : memref<80x128xf32, #tpu.memory_space<vmem>>) target(%dma_start3A_28 : memref<10240x128xf32, #tpu.memory_space<vmem_shared>>) offsets(%arg9 : memref<80xi32, #tpu.memory_space<vmem>>) semaphore(%run_scoped3A : memref<!tpu.dma_semaphore, #tpu.memory_space<semaphore_mem>>) {add = true}
        %dma_wait3A_29 = arith.constant 0 : i32
        %dma_wait3A_30 = arith.constant 0 : i32
        %dma_wait3A_31 = tpu.memref_slice %arg12[%dma_wait3A_29, %dma_wait3A_30] : memref<10240x128xf32, #tpu.memory_space<vmem_shared>> -> memref<10240x128xf32, #tpu.memory_space<vmem_shared>>
        tpu.wait_indirect_dma semaphore(%run_scoped3A : memref<!tpu.dma_semaphore, #tpu.memory_space<semaphore_mem>>) src(%arg11 : memref<80x128xf32, #tpu.memory_space<vmem>>) dst(%dma_wait3A_31 : memref<10240x128xf32, #tpu.memory_space<vmem_shared>>)
        tpu.yield
      }) : () -> ()
    }
    %scan3A_7 = arith.constant 125 : i32
    %barrier3A_8 = arith.constant 0 : index
    tpu.barrier barrier_id(%barrier3A_8)
    "tpu.region"() ({
      %run_scoped3A = tpu.sem_alloc : memref<!tpu.dma_semaphore, #tpu.memory_space<semaphore_mem>>
      %dma_start3A = arith.constant 0 : i32
      %dma_start3A_9 = tpu.memref_slice %arg7[%arg0, %multiple_of3A, %dma_start3A] : memref<2x10240x128xf32, #tpu.memory_space<hbm>> -> memref<1x640x128xf32, #tpu.memory_space<hbm>>
      %dma_start3A_10 = tpu.memref_squeeze %dma_start3A_9 : memref<1x640x128xf32, #tpu.memory_space<hbm>> -> memref<640x128xf32, #tpu.memory_space<hbm>>
      %dma_start3A_11 = arith.constant 0 : i32
      %dma_start3A_12 = tpu.memref_slice %arg12[%multiple_of3A, %dma_start3A_11] : memref<10240x128xf32, #tpu.memory_space<vmem_shared>> -> memref<640x128xf32, #tpu.memory_space<vmem_shared>>
      tpu.enqueue_dma source(%dma_start3A_12 : memref<640x128xf32, #tpu.memory_space<vmem_shared>>) target(%dma_start3A_10 : memref<640x128xf32, #tpu.memory_space<hbm>>) target_semaphore(%run_scoped3A : memref<!tpu.dma_semaphore, #tpu.memory_space<semaphore_mem>>)
      %dma_wait3A = arith.constant 0 : i32
      %dma_wait3A_13 = tpu.memref_slice %arg7[%arg0, %multiple_of3A, %dma_wait3A] : memref<2x10240x128xf32, #tpu.memory_space<hbm>> -> memref<1x640x128xf32, #tpu.memory_space<hbm>>
      %dma_wait3A_14 = tpu.memref_squeeze %dma_wait3A_13 : memref<1x640x128xf32, #tpu.memory_space<hbm>> -> memref<640x128xf32, #tpu.memory_space<hbm>>
      %dma_wait3A_15 = arith.constant 0 : i32
      %dma_wait3A_16 = tpu.memref_slice %arg12[%multiple_of3A, %dma_wait3A_15] : memref<10240x128xf32, #tpu.memory_space<vmem_shared>> -> memref<640x128xf32, #tpu.memory_space<vmem_shared>>
      tpu.wait_dma2 semaphore(%run_scoped3A : memref<!tpu.dma_semaphore, #tpu.memory_space<semaphore_mem>>) src(%dma_wait3A_16 : memref<640x128xf32, #tpu.memory_space<vmem_shared>>) dst(%dma_wait3A_14 : memref<640x128xf32, #tpu.memory_space<hbm>>)
      tpu.yield
    }) : () -> ()
    return
  }
}

module attributes {stable_mosaic.version = 14 : i64} {
  func.func @_pre_body(%arg0: i32, %arg1: memref<400x128xf32, #tpu.memory_space<vmem>>, %arg2: memref<400x128xf32, #tpu.memory_space<vmem>>, %arg3: memref<400x128xf32, #tpu.memory_space<vmem>>, %arg4: memref<128x128xf32, #tpu.memory_space<vmem>>, %arg5: memref<1x128xf32, #tpu.memory_space<vmem>>, %arg6: memref<16x256xf32, #tpu.memory_space<vmem>>, %arg7: memref<1x16xf32, #tpu.memory_space<vmem>>, %arg8: memref<128x128xf32, #tpu.memory_space<vmem>>, %arg9: memref<128x128xf32, #tpu.memory_space<vmem>>, %arg10: memref<1x128xf32, #tpu.memory_space<vmem>>, %arg11: memref<384x128xf32, #tpu.memory_space<vmem>>, %arg12: memref<1x384xf32, #tpu.memory_space<vmem>>, %arg13: memref<400x16xf32, #tpu.memory_space<vmem>>, %arg14: memref<400x16xf32, #tpu.memory_space<vmem>>, %arg15: memref<1x16xf32, #tpu.memory_space<vmem>>, %arg16: memref<400x256xf32, #tpu.memory_space<vmem>>, %arg17: memref<400x128xf32, #tpu.memory_space<vmem>>, %arg18: memref<400x384xf32, #tpu.memory_space<vmem>>) attributes {dimension_semantics = [#tpu.dimension_semantics<arbitrary>], iteration_bounds = array<i64: 25>, scalar_prefetch = 0 : i64, scratch_operands = 0 : i64, tpu.core_type = #tpu.core_type<tc>, window_params = [{transform_indices = @transform_0, window_bounds = array<i64: 400, 128>}, {transform_indices = @transform_1, window_bounds = array<i64: 400, 128>}, {transform_indices = @transform_2, window_bounds = array<i64: 400, 128>}, {pipeline_mode = #tpu.pipeline_mode<synchronous>, transform_indices = @transform_3, window_bounds = array<i64: 128, 128>}, {pipeline_mode = #tpu.pipeline_mode<synchronous>, transform_indices = @transform_4, window_bounds = array<i64: 1, 128>}, {pipeline_mode = #tpu.pipeline_mode<synchronous>, transform_indices = @transform_5, window_bounds = array<i64: 16, 256>}, {pipeline_mode = #tpu.pipeline_mode<synchronous>, transform_indices = @transform_6, window_bounds = array<i64: 1, 16>}, {pipeline_mode = #tpu.pipeline_mode<synchronous>, transform_indices = @transform_7, window_bounds = array<i64: 128, 128>}, {pipeline_mode = #tpu.pipeline_mode<synchronous>, transform_indices = @transform_8, window_bounds = array<i64: 128, 128>}, {pipeline_mode = #tpu.pipeline_mode<synchronous>, transform_indices = @transform_9, window_bounds = array<i64: 1, 128>}, {pipeline_mode = #tpu.pipeline_mode<synchronous>, transform_indices = @transform_10, window_bounds = array<i64: 384, 128>}, {pipeline_mode = #tpu.pipeline_mode<synchronous>, transform_indices = @transform_11, window_bounds = array<i64: 1, 384>}, {transform_indices = @transform_12, window_bounds = array<i64: 400, 16>}, {transform_indices = @transform_13, window_bounds = array<i64: 400, 16>}, {pipeline_mode = #tpu.pipeline_mode<synchronous>, transform_indices = @transform_14, window_bounds = array<i64: 1, 16>}, {transform_indices = @transform_15, window_bounds = array<i64: 400, 256>}, {transform_indices = @transform_16, window_bounds = array<i64: 400, 128>}, {transform_indices = @transform_17, window_bounds = array<i64: 400, 384>}]} {
    %get3A = arith.constant 0 : index
    %get3A_0 = arith.constant 0 : index
    %get3A_1 = vector.load %arg1[%get3A, %get3A_0] : memref<400x128xf32, #tpu.memory_space<vmem>>, vector<400x128xf32>
    %get3A_2 = arith.constant 0 : index
    %get3A_3 = arith.constant 0 : index
    %get3A_4 = vector.load %arg2[%get3A_2, %get3A_3] : memref<400x128xf32, #tpu.memory_space<vmem>>, vector<400x128xf32>
    %get3A_5 = arith.constant 0 : index
    %get3A_6 = arith.constant 0 : index
    %get3A_7 = vector.load %arg3[%get3A_5, %get3A_6] : memref<400x128xf32, #tpu.memory_space<vmem>>, vector<400x128xf32>
    %get3A_8 = arith.constant 0 : index
    %get3A_9 = arith.constant 0 : index
    %get3A_10 = vector.load %arg4[%get3A_8, %get3A_9] : memref<128x128xf32, #tpu.memory_space<vmem>>, vector<128x128xf32>
    %dot_general3A = arith.constant dense<0.000000e+00> : vector<400x128xf32>
    %dot_general3A_11 = tpu.matmul %get3A_4, %get3A_10, %dot_general3A {dimension_numbers = #tpu.dot_dimension_numbers<[1], [1], [0], [0], [0, 0, 1, 0], [], []>, transpose_lhs_hint = false} : vector<400x128xf32>, vector<128x128xf32>, vector<400x128xf32> -> vector<400x128xf32>
    %get3A_12 = arith.constant 0 : index
    %get3A_13 = arith.constant 0 : index
    %get3A_14 = vector.load %arg5[%get3A_12, %get3A_13] : memref<1x128xf32, #tpu.memory_space<vmem>>, vector<1x128xf32>
    %add3A = vector.broadcast %get3A_14 : vector<1x128xf32> to vector<400x128xf32>
    %add3A_15 = arith.addf %dot_general3A_11, %add3A : vector<400x128xf32>
    %get3A_16 = arith.constant 0 : index
    %get3A_17 = arith.constant 0 : index
    %get3A_18 = vector.load %arg4[%get3A_16, %get3A_17] : memref<128x128xf32, #tpu.memory_space<vmem>>, vector<128x128xf32>
    %dot_general3A_19 = arith.constant dense<0.000000e+00> : vector<400x128xf32>
    %dot_general3A_20 = tpu.matmul %get3A_1, %get3A_18, %dot_general3A_19 {dimension_numbers = #tpu.dot_dimension_numbers<[1], [1], [0], [0], [0, 0, 1, 0], [], []>, transpose_lhs_hint = false} : vector<400x128xf32>, vector<128x128xf32>, vector<400x128xf32> -> vector<400x128xf32>
    %get3A_21 = arith.constant 0 : index
    %get3A_22 = arith.constant 0 : index
    %get3A_23 = vector.load %arg5[%get3A_21, %get3A_22] : memref<1x128xf32, #tpu.memory_space<vmem>>, vector<1x128xf32>
    %add3A_24 = vector.broadcast %get3A_23 : vector<1x128xf32> to vector<400x128xf32>
    %add3A_25 = arith.addf %dot_general3A_20, %add3A_24 : vector<400x128xf32>
    %get3A_26 = arith.constant 0 : index
    %get3A_27 = arith.constant 0 : index
    %get3A_28 = vector.load %arg6[%get3A_26, %get3A_27] : memref<16x256xf32, #tpu.memory_space<vmem>>, vector<16x256xf32>
    %slice3A = vector.extract_strided_slice %get3A_28 {offsets = [0, 0], sizes = [16, 128], strides = [1, 1]} : vector<16x256xf32> to vector<16x128xf32>
    %dot_general3A_29 = arith.constant dense<0.000000e+00> : vector<400x16xf32>
    %dot_general3A_30 = tpu.matmul %add3A_15, %slice3A, %dot_general3A_29 {dimension_numbers = #tpu.dot_dimension_numbers<[1], [1], [0], [0], [0, 0, 1, 0], [], []>, transpose_lhs_hint = false} : vector<400x128xf32>, vector<16x128xf32>, vector<400x16xf32> -> vector<400x16xf32>
    %slice3A_31 = vector.extract_strided_slice %get3A_28 {offsets = [0, 128], sizes = [16, 128], strides = [1, 1]} : vector<16x256xf32> to vector<16x128xf32>
    %dot_general3A_32 = arith.constant dense<0.000000e+00> : vector<400x16xf32>
    %dot_general3A_33 = tpu.matmul %add3A_25, %slice3A_31, %dot_general3A_32 {dimension_numbers = #tpu.dot_dimension_numbers<[1], [1], [0], [0], [0, 0, 1, 0], [], []>, transpose_lhs_hint = false} : vector<400x128xf32>, vector<16x128xf32>, vector<400x16xf32> -> vector<400x16xf32>
    %get3A_34 = arith.constant 0 : index
    %get3A_35 = arith.constant 0 : index
    %get3A_36 = vector.load %arg7[%get3A_34, %get3A_35] : memref<1x16xf32, #tpu.memory_space<vmem>>, vector<1x16xf32>
    %add3A_37 = vector.broadcast %get3A_36 : vector<1x16xf32> to vector<400x16xf32>
    %add3A_38 = arith.addf %dot_general3A_33, %add3A_37 : vector<400x16xf32>
    %swap3A = arith.constant 0 : index
    %swap3A_39 = arith.constant 0 : index
    %swap3A_40 = vector.load %arg13[%swap3A, %swap3A_39] : memref<400x16xf32, #tpu.memory_space<vmem>>, vector<400x16xf32>
    tpu.vector_store %arg13[%swap3A, %swap3A_39], %dot_general3A_30 {strides = array<i32>} : memref<400x16xf32, #tpu.memory_space<vmem>>, vector<400x16xf32>,
    %swap3A_41 = arith.constant 0 : index
    %swap3A_42 = arith.constant 0 : index
    %swap3A_43 = vector.load %arg14[%swap3A_41, %swap3A_42] : memref<400x16xf32, #tpu.memory_space<vmem>>, vector<400x16xf32>
    tpu.vector_store %arg14[%swap3A_41, %swap3A_42], %add3A_38 {strides = array<i32>} : memref<400x16xf32, #tpu.memory_space<vmem>>, vector<400x16xf32>,
    %eq3A = arith.constant 0 : i32
    %eq3A_44 = arith.cmpi eq, %arg0, %eq3A : i32
    %convert_element_type3A = arith.extui %eq3A_44 : i1 to i32
    %cond3A = arith.constant 0 : i32
    %cond3A_45 = arith.cmpi ne, %convert_element_type3A, %cond3A : i32
    scf.if %cond3A_45 {
      %broadcast_in_dim3A = arith.constant -9.99999968E+37 : f32
      %broadcast_in_dim3A_91 = vector.broadcast %broadcast_in_dim3A : f32 to vector<1x16xf32>
      %swap3A_92 = arith.constant 0 : index
      %swap3A_93 = arith.constant 0 : index
      %swap3A_94 = vector.load %arg15[%swap3A_92, %swap3A_93] : memref<1x16xf32, #tpu.memory_space<vmem>>, vector<1x16xf32>
      tpu.vector_store %arg15[%swap3A_92, %swap3A_93], %broadcast_in_dim3A_91 {strides = array<i32>} : memref<1x16xf32, #tpu.memory_space<vmem>>, vector<1x16xf32>,
    } else {
    }
    %get3A_46 = arith.constant 0 : index
    %get3A_47 = arith.constant 0 : index
    %get3A_48 = vector.load %arg15[%get3A_46, %get3A_47] : memref<1x16xf32, #tpu.memory_space<vmem>>, vector<1x16xf32>
    %reduce_max3A = vector.shape_cast %dot_general3A_30 : vector<400x16xf32> to vector<1x400x16xf32>
    %reduce_max3A_49 = arith.constant dense<0xFF800000> : vector<1xf32>
    %reduce_max3A_50 = vector.multi_reduction <maximumf>, %reduce_max3A, %reduce_max3A_49 [1, 2] : vector<1x400x16xf32> to vector<1xf32>
    %reduce_max3A_51 = vector.shape_cast %reduce_max3A_50 : vector<1xf32> to vector<1x1x1xf32>
    %reduce_max3A_52 = vector.extract %reduce_max3A_51[0, 0, 0] : f32 from vector<1x1x1xf32>
    %max3A = vector.broadcast %reduce_max3A_52 : f32 to vector<1x16xf32>
    %max3A_53 = arith.maximumf %get3A_48, %max3A : vector<1x16xf32>
    %swap3A_54 = arith.constant 0 : index
    %swap3A_55 = arith.constant 0 : index
    %swap3A_56 = vector.load %arg15[%swap3A_54, %swap3A_55] : memref<1x16xf32, #tpu.memory_space<vmem>>, vector<1x16xf32>
    tpu.vector_store %arg15[%swap3A_54, %swap3A_55], %max3A_53 {strides = array<i32>} : memref<1x16xf32, #tpu.memory_space<vmem>>, vector<1x16xf32>,
    %get3A_57 = arith.constant 0 : index
    %get3A_58 = arith.constant 0 : index
    %get3A_59 = vector.load %arg8[%get3A_57, %get3A_58] : memref<128x128xf32, #tpu.memory_space<vmem>>, vector<128x128xf32>
    %dot_general3A_60 = arith.constant dense<0.000000e+00> : vector<400x128xf32>
    %dot_general3A_61 = tpu.matmul %get3A_4, %get3A_59, %dot_general3A_60 {dimension_numbers = #tpu.dot_dimension_numbers<[1], [1], [0], [0], [0, 0, 1, 0], [], []>, transpose_lhs_hint = false} : vector<400x128xf32>, vector<128x128xf32>, vector<400x128xf32> -> vector<400x128xf32>
    %concatenate3A = tpu.concatenate %dot_general3A_61, %get3A_7 in 1 : vector<400x128xf32>, vector<400x128xf32> -> vector<400x256xf32>
    %swap3A_62 = arith.constant 0 : index
    %swap3A_63 = arith.constant 0 : index
    %swap3A_64 = vector.load %arg16[%swap3A_62, %swap3A_63] : memref<400x256xf32, #tpu.memory_space<vmem>>, vector<400x256xf32>
    tpu.vector_store %arg16[%swap3A_62, %swap3A_63], %concatenate3A {strides = array<i32>} : memref<400x256xf32, #tpu.memory_space<vmem>>, vector<400x256xf32>,
    %get3A_65 = arith.constant 0 : index
    %get3A_66 = arith.constant 0 : index
    %get3A_67 = vector.load %arg9[%get3A_65, %get3A_66] : memref<128x128xf32, #tpu.memory_space<vmem>>, vector<128x128xf32>
    %dot_general3A_68 = arith.constant dense<0.000000e+00> : vector<400x128xf32>
    %dot_general3A_69 = tpu.matmul %get3A_1, %get3A_67, %dot_general3A_68 {dimension_numbers = #tpu.dot_dimension_numbers<[1], [1], [0], [0], [0, 0, 1, 0], [], []>, transpose_lhs_hint = false} : vector<400x128xf32>, vector<128x128xf32>, vector<400x128xf32> -> vector<400x128xf32>
    %get3A_70 = arith.constant 0 : index
    %get3A_71 = arith.constant 0 : index
    %get3A_72 = vector.load %arg10[%get3A_70, %get3A_71] : memref<1x128xf32, #tpu.memory_space<vmem>>, vector<1x128xf32>
    %add3A_73 = vector.broadcast %get3A_72 : vector<1x128xf32> to vector<400x128xf32>
    %add3A_74 = arith.addf %dot_general3A_69, %add3A_73 : vector<400x128xf32>
    %swap3A_75 = arith.constant 0 : index
    %swap3A_76 = arith.constant 0 : index
    %swap3A_77 = vector.load %arg17[%swap3A_75, %swap3A_76] : memref<400x128xf32, #tpu.memory_space<vmem>>, vector<400x128xf32>
    tpu.vector_store %arg17[%swap3A_75, %swap3A_76], %add3A_74 {strides = array<i32>} : memref<400x128xf32, #tpu.memory_space<vmem>>, vector<400x128xf32>,
    %get3A_78 = arith.constant 0 : index
    %get3A_79 = arith.constant 0 : index
    %get3A_80 = vector.load %arg11[%get3A_78, %get3A_79] : memref<384x128xf32, #tpu.memory_space<vmem>>, vector<384x128xf32>
    %dot_general3A_81 = arith.constant dense<0.000000e+00> : vector<400x384xf32>
    %dot_general3A_82 = tpu.matmul %get3A_1, %get3A_80, %dot_general3A_81 {dimension_numbers = #tpu.dot_dimension_numbers<[1], [1], [0], [0], [0, 0, 1, 0], [], []>, transpose_lhs_hint = false} : vector<400x128xf32>, vector<384x128xf32>, vector<400x384xf32> -> vector<400x384xf32>
    %get3A_83 = arith.constant 0 : index
    %get3A_84 = arith.constant 0 : index
    %get3A_85 = vector.load %arg12[%get3A_83, %get3A_84] : memref<1x384xf32, #tpu.memory_space<vmem>>, vector<1x384xf32>
    %add3A_86 = vector.broadcast %get3A_85 : vector<1x384xf32> to vector<400x384xf32>
    %add3A_87 = arith.addf %dot_general3A_82, %add3A_86 : vector<400x384xf32>
    %swap3A_88 = arith.constant 0 : index
    %swap3A_89 = arith.constant 0 : index
    %swap3A_90 = vector.load %arg18[%swap3A_88, %swap3A_89] : memref<400x384xf32, #tpu.memory_space<vmem>>, vector<400x384xf32>
    tpu.vector_store %arg18[%swap3A_88, %swap3A_89], %add3A_87 {strides = array<i32>} : memref<400x384xf32, #tpu.memory_space<vmem>>, vector<400x384xf32>,
    return
  }
  func.func @transform_0(%arg0: i32) -> (i32, i32) {
    %c0_i32 = arith.constant 0 : i32
    %c0_i32_0 = arith.constant 0 : i32
    return %arg0, %c0_i32 : i32, i32
  }
  func.func @transform_1(%arg0: i32) -> (i32, i32) {
    %c0_i32 = arith.constant 0 : i32
    %c0_i32_0 = arith.constant 0 : i32
    return %arg0, %c0_i32 : i32, i32
  }
  func.func @transform_2(%arg0: i32) -> (i32, i32) {
    %c0_i32 = arith.constant 0 : i32
    %c0_i32_0 = arith.constant 0 : i32
    return %arg0, %c0_i32 : i32, i32
  }
  func.func @transform_3(%arg0: i32) -> (i32, i32) {
    %c0_i32 = arith.constant 0 : i32
    %c0_i32_0 = arith.constant 0 : i32
    %c0_i32_1 = arith.constant 0 : i32
    return %c0_i32, %c0_i32_0 : i32, i32
  }
  func.func @transform_4(%arg0: i32) -> (i32, i32) {
    %c0_i32 = arith.constant 0 : i32
    %c0_i32_0 = arith.constant 0 : i32
    %c0_i32_1 = arith.constant 0 : i32
    return %c0_i32, %c0_i32_0 : i32, i32
  }
  func.func @transform_5(%arg0: i32) -> (i32, i32) {
    %c0_i32 = arith.constant 0 : i32
    %c0_i32_0 = arith.constant 0 : i32
    %c0_i32_1 = arith.constant 0 : i32
    return %c0_i32, %c0_i32_0 : i32, i32
  }
  func.func @transform_6(%arg0: i32) -> (i32, i32) {
    %c0_i32 = arith.constant 0 : i32
    %c0_i32_0 = arith.constant 0 : i32
    %c0_i32_1 = arith.constant 0 : i32
    return %c0_i32, %c0_i32_0 : i32, i32
  }
  func.func @transform_7(%arg0: i32) -> (i32, i32) {
    %c0_i32 = arith.constant 0 : i32
    %c0_i32_0 = arith.constant 0 : i32
    %c0_i32_1 = arith.constant 0 : i32
    return %c0_i32, %c0_i32_0 : i32, i32
  }
  func.func @transform_8(%arg0: i32) -> (i32, i32) {
    %c0_i32 = arith.constant 0 : i32
    %c0_i32_0 = arith.constant 0 : i32
    %c0_i32_1 = arith.constant 0 : i32
    return %c0_i32, %c0_i32_0 : i32, i32
  }
  func.func @transform_9(%arg0: i32) -> (i32, i32) {
    %c0_i32 = arith.constant 0 : i32
    %c0_i32_0 = arith.constant 0 : i32
    %c0_i32_1 = arith.constant 0 : i32
    return %c0_i32, %c0_i32_0 : i32, i32
  }
  func.func @transform_10(%arg0: i32) -> (i32, i32) {
    %c0_i32 = arith.constant 0 : i32
    %c0_i32_0 = arith.constant 0 : i32
    %c0_i32_1 = arith.constant 0 : i32
    return %c0_i32, %c0_i32_0 : i32, i32
  }
  func.func @transform_11(%arg0: i32) -> (i32, i32) {
    %c0_i32 = arith.constant 0 : i32
    %c0_i32_0 = arith.constant 0 : i32
    %c0_i32_1 = arith.constant 0 : i32
    return %c0_i32, %c0_i32_0 : i32, i32
  }
  func.func @transform_12(%arg0: i32) -> (i32, i32) {
    %c0_i32 = arith.constant 0 : i32
    %c0_i32_0 = arith.constant 0 : i32
    return %arg0, %c0_i32 : i32, i32
  }
  func.func @transform_13(%arg0: i32) -> (i32, i32) {
    %c0_i32 = arith.constant 0 : i32
    %c0_i32_0 = arith.constant 0 : i32
    return %arg0, %c0_i32 : i32, i32
  }
  func.func @transform_14(%arg0: i32) -> (i32, i32) {
    %c0_i32 = arith.constant 0 : i32
    %c0_i32_0 = arith.constant 0 : i32
    %c0_i32_1 = arith.constant 0 : i32
    return %c0_i32, %c0_i32_0 : i32, i32
  }
  func.func @transform_15(%arg0: i32) -> (i32, i32) {
    %c0_i32 = arith.constant 0 : i32
    %c0_i32_0 = arith.constant 0 : i32
    return %arg0, %c0_i32 : i32, i32
  }
  func.func @transform_16(%arg0: i32) -> (i32, i32) {
    %c0_i32 = arith.constant 0 : i32
    %c0_i32_0 = arith.constant 0 : i32
    return %arg0, %c0_i32 : i32, i32
  }
  func.func @transform_17(%arg0: i32) -> (i32, i32) {
    %c0_i32 = arith.constant 0 : i32
    %c0_i32_0 = arith.constant 0 : i32
    return %arg0, %c0_i32 : i32, i32
  }
}

module attributes {stable_mosaic.version = 14 : i64} {
  func.func @_post_body(%arg0: i32, %arg1: memref<2x400x128xf32, #tpu.memory_space<vmem>>, %arg2: memref<400x32xf32, #tpu.memory_space<vmem>>, %arg3: memref<2x400x128xf32, #tpu.memory_space<vmem>>, %arg4: memref<400x384xf32, #tpu.memory_space<vmem>>, %arg5: memref<384x128xf32, #tpu.memory_space<vmem>>, %arg6: memref<400x128xf32, #tpu.memory_space<vmem>>, %arg7: memref<400x128xf32, #tpu.memory_space<vmem>>) attributes {dimension_semantics = [#tpu.dimension_semantics<arbitrary>], iteration_bounds = array<i64: 25>, scalar_prefetch = 0 : i64, scratch_operands = 0 : i64, tpu.core_type = #tpu.core_type<tc>, window_params = [{transform_indices = @transform_0, window_bounds = array<i64: 2, 400, 128>}, {transform_indices = @transform_1, window_bounds = array<i64: 400, 32>}, {transform_indices = @transform_2, window_bounds = array<i64: 2, 400, 128>}, {transform_indices = @transform_3, window_bounds = array<i64: 400, 384>}, {pipeline_mode = #tpu.pipeline_mode<synchronous>, transform_indices = @transform_4, window_bounds = array<i64: 384, 128>}, {transform_indices = @transform_5, window_bounds = array<i64: 400, 128>}, {transform_indices = @transform_6, window_bounds = array<i64: 400, 128>}]} {
    %get3A = arith.constant 0 : index
    %get3A_0 = arith.constant 0 : index
    %get3A_1 = arith.constant 0 : index
    %get3A_2 = vector.load %arg1[%get3A, %get3A_0, %get3A_1] : memref<2x400x128xf32, #tpu.memory_space<vmem>>, vector<1x400x128xf32>
    %get3A_3 = vector.shape_cast %get3A_2 : vector<1x400x128xf32> to vector<400x128xf32>
    %get3A_4 = arith.constant 1 : index
    %get3A_5 = arith.constant 0 : index
    %get3A_6 = arith.constant 0 : index
    %get3A_7 = vector.load %arg1[%get3A_4, %get3A_5, %get3A_6] : memref<2x400x128xf32, #tpu.memory_space<vmem>>, vector<1x400x128xf32>
    %get3A_8 = vector.shape_cast %get3A_7 : vector<1x400x128xf32> to vector<400x128xf32>
    %add3A = arith.addf %get3A_3, %get3A_8 : vector<400x128xf32>
    %get3A_9 = arith.constant 0 : index
    %get3A_10 = arith.constant 0 : index
    %get3A_11 = arith.constant 0 : index
    %get3A_12 = vector.load %arg3[%get3A_9, %get3A_10, %get3A_11] : memref<2x400x128xf32, #tpu.memory_space<vmem>>, vector<1x400x128xf32>
    %get3A_13 = vector.shape_cast %get3A_12 : vector<1x400x128xf32> to vector<400x128xf32>
    %get3A_14 = arith.constant 1 : index
    %get3A_15 = arith.constant 0 : index
    %get3A_16 = arith.constant 0 : index
    %get3A_17 = vector.load %arg3[%get3A_14, %get3A_15, %get3A_16] : memref<2x400x128xf32, #tpu.memory_space<vmem>>, vector<1x400x128xf32>
    %get3A_18 = vector.shape_cast %get3A_17 : vector<1x400x128xf32> to vector<400x128xf32>
    %add3A_19 = arith.addf %get3A_13, %get3A_18 : vector<400x128xf32>
    %get3A_20 = arith.constant 0 : index
    %get3A_21 = arith.constant 0 : index
    %get3A_22 = vector.load %arg2[%get3A_20, %get3A_21] : memref<400x32xf32, #tpu.memory_space<vmem>>, vector<400x32xf32>
    %reduce_sum3A = arith.constant dense<0.000000e+00> : vector<400xf32>
    %reduce_sum3A_23 = vector.multi_reduction <add>, %get3A_22, %reduce_sum3A [1] : vector<400x32xf32> to vector<400xf32>
    %broadcast_in_dim3A = vector.shape_cast %reduce_sum3A_23 : vector<400xf32> to vector<400x1xf32>
    %max3A = arith.constant 9.99999971E-10 : f32
    %max3A_24 = vector.broadcast %max3A : f32 to vector<400x1xf32>
    %max3A_25 = arith.maximumf %broadcast_in_dim3A, %max3A_24 : vector<400x1xf32>
    %div3A = vector.broadcast %max3A_25 : vector<400x1xf32> to vector<400x128xf32>
    %div3A_26 = arith.divf %add3A, %div3A : vector<400x128xf32>
    %get3A_27 = arith.constant 0 : index
    %get3A_28 = arith.constant 0 : index
    %get3A_29 = vector.load %arg5[%get3A_27, %get3A_28] : memref<384x128xf32, #tpu.memory_space<vmem>>, vector<384x128xf32>
    %dot_general3A = arith.constant dense<0.000000e+00> : vector<400x384xf32>
    %dot_general3A_30 = tpu.matmul %div3A_26, %get3A_29, %dot_general3A {dimension_numbers = #tpu.dot_dimension_numbers<[1], [1], [0], [0], [0, 0, 1, 0], [], []>, transpose_lhs_hint = false} : vector<400x128xf32>, vector<384x128xf32>, vector<400x384xf32> -> vector<400x384xf32>
    %get3A_31 = arith.constant 0 : index
    %get3A_32 = arith.constant 0 : index
    %get3A_33 = vector.load %arg4[%get3A_31, %get3A_32] : memref<400x384xf32, #tpu.memory_space<vmem>>, vector<400x384xf32>
    %add3A_34 = arith.addf %dot_general3A_30, %get3A_33 : vector<400x384xf32>
    %slice3A = vector.extract_strided_slice %add3A_34 {offsets = [0, 0], sizes = [400, 128], strides = [1, 1]} : vector<400x384xf32> to vector<400x128xf32>
    %slice3A_35 = vector.extract_strided_slice %add3A_34 {offsets = [0, 128], sizes = [400, 128], strides = [1, 1]} : vector<400x384xf32> to vector<400x128xf32>
    %slice3A_36 = vector.extract_strided_slice %add3A_34 {offsets = [0, 256], sizes = [400, 128], strides = [1, 1]} : vector<400x384xf32> to vector<400x128xf32>
    %logistic3A = arith.negf %slice3A : vector<400x128xf32>
    %logistic3A_37 = math.exp %logistic3A : vector<400x128xf32>
    %logistic3A_38 = arith.constant 1.000000e+00 : f32
    %logistic3A_39 = vector.broadcast %logistic3A_38 : f32 to vector<400x128xf32>
    %logistic3A_40 = arith.addf %logistic3A_39, %logistic3A_37 : vector<400x128xf32>
    %logistic3A_41 = arith.divf %logistic3A_39, %logistic3A_40 : vector<400x128xf32>
    %tanh3A = math.tanh %slice3A_36 : vector<400x128xf32>
    %mul3A = arith.mulf %logistic3A_41, %tanh3A : vector<400x128xf32>
    %add3A_42 = arith.addf %mul3A, %add3A_19 : vector<400x128xf32>
    %logistic3A_43 = arith.negf %slice3A_35 : vector<400x128xf32>
    %logistic3A_44 = math.exp %logistic3A_43 : vector<400x128xf32>
    %logistic3A_45 = arith.constant 1.000000e+00 : f32
    %logistic3A_46 = vector.broadcast %logistic3A_45 : f32 to vector<400x128xf32>
    %logistic3A_47 = arith.addf %logistic3A_46, %logistic3A_44 : vector<400x128xf32>
    %logistic3A_48 = arith.divf %logistic3A_46, %logistic3A_47 : vector<400x128xf32>
    %tanh3A_49 = math.tanh %add3A_42 : vector<400x128xf32>
    %mul3A_50 = arith.mulf %logistic3A_48, %tanh3A_49 : vector<400x128xf32>
    %swap3A = arith.constant 0 : index
    %swap3A_51 = arith.constant 0 : index
    %swap3A_52 = vector.load %arg6[%swap3A, %swap3A_51] : memref<400x128xf32, #tpu.memory_space<vmem>>, vector<400x128xf32>
    tpu.vector_store %arg6[%swap3A, %swap3A_51], %mul3A_50 {strides = array<i32>} : memref<400x128xf32, #tpu.memory_space<vmem>>, vector<400x128xf32>,
    %swap3A_53 = arith.constant 0 : index
    %swap3A_54 = arith.constant 0 : index
    %swap3A_55 = vector.load %arg7[%swap3A_53, %swap3A_54] : memref<400x128xf32, #tpu.memory_space<vmem>>, vector<400x128xf32>
    tpu.vector_store %arg7[%swap3A_53, %swap3A_54], %add3A_42 {strides = array<i32>} : memref<400x128xf32, #tpu.memory_space<vmem>>, vector<400x128xf32>,
    return
  }
  func.func @transform_0(%arg0: i32) -> (i32, i32, i32) {
    %c0_i32 = arith.constant 0 : i32
    %c0_i32_0 = arith.constant 0 : i32
    %c0_i32_1 = arith.constant 0 : i32
    return %c0_i32, %arg0, %c0_i32_0 : i32, i32, i32
  }
  func.func @transform_1(%arg0: i32) -> (i32, i32) {
    %c0_i32 = arith.constant 0 : i32
    %c0_i32_0 = arith.constant 0 : i32
    return %arg0, %c0_i32 : i32, i32
  }
  func.func @transform_2(%arg0: i32) -> (i32, i32, i32) {
    %c0_i32 = arith.constant 0 : i32
    %c0_i32_0 = arith.constant 0 : i32
    %c0_i32_1 = arith.constant 0 : i32
    return %c0_i32, %arg0, %c0_i32_0 : i32, i32, i32
  }
  func.func @transform_3(%arg0: i32) -> (i32, i32) {
    %c0_i32 = arith.constant 0 : i32
    %c0_i32_0 = arith.constant 0 : i32
    return %arg0, %c0_i32 : i32, i32
  }
  func.func @transform_4(%arg0: i32) -> (i32, i32) {
    %c0_i32 = arith.constant 0 : i32
    %c0_i32_0 = arith.constant 0 : i32
    %c0_i32_1 = arith.constant 0 : i32
    return %c0_i32, %c0_i32_0 : i32, i32
  }
  func.func @transform_5(%arg0: i32) -> (i32, i32) {
    %c0_i32 = arith.constant 0 : i32
    %c0_i32_0 = arith.constant 0 : i32
    return %arg0, %c0_i32 : i32, i32
  }
  func.func @transform_6(%arg0: i32) -> (i32, i32) {
    %c0_i32 = arith.constant 0 : i32
    %c0_i32_0 = arith.constant 0 : i32
    return %arg0, %c0_i32 : i32, i32
  }
}

</mosaic_0001>

<sc_bundles>
// kernel: kernel.6.cloned.1.call-start
scs
__scs_entry_jumppad:
0x0: {  	(pc) =	sbr.rel $0x88, $3  }
0x1: {  	(tag) =	ssettag $0x0;
	lr =	simm.s32 $0x1  }
0x2: {  	[smem:$0x3F93] =	sst lr;
	_ =	strace $0xD0000000  }
0x3: {  	_ = 	snop  }
0x4: {  	_ = 	snop  }
0x5: {  	_ = 	snop  }
0x6: {  	_ = 	snop  }
0x7: {  	_ = 	snop  }
__scs_overlays_trampoline_lowered:
0x8: {  	[smem:$0x3FA2] =	sst s0  }
0x9: {  	[smem:$0x3FA3] =	sst s1  }
0xa: {  	[smem:$0x3FA4] =	sst s2  }
0xb: {  	[smem:$0x3FA5] =	sst s3  }
0xc: {  	[smem:$0x3FA6] =	sst s4  }
0xd: {  	[smem:$0x3FA7] =	sst s5  }
0xe: {  	[smem:$0x3FA8] =	sst s6  }
0xf: {  	[smem:$0x3FA9] =	sst s7  }
0x10: {  	[smem:$0x3FAA] =	sst s8  }
0x11: {  	[smem:$0x3FAB] =	sst s9;
	s0 =	simm.s32 @!p0 $0x0  }
0x12: {  	s1 =	sld [smem:$0x3F91];
	s0 =	simm.s32 @p0 $0x1  }
0x13: {  	[smem:$0x3FAC] =	sst s0;
	s0 =	simm.s32 @!p1 $0x0  }
0x14: {  	s2 =	sld [smem:$0x3F90];
	s0 =	simm.s32 @p1 $0x1  }
0x15: {  	[smem:$0x3FAD] =	sst s0;
	s0 =	simm.s32 @!p2 $0x0  }
0x16: {  	s3 =	sld [smem:$0x3FDB];
	s0 =	simm.s32 @p2 $0x1  }
0x17: {  	s4 =	simm.s32 $0x1BF5;
	[smem:$0x3FAF] =	sst s0  }
0x18: {  	s0 =	sld [smem:$0x3F92];
	_ =	swait.ge [sflag:s4], $0x0  }
0x19: {  	s7 =	sld [smem:$0x3F93]  }
0x1a: {  	s8 =	sadd.s32 $0xFFFFE003, lr  }
0x1b: {  	s9 =	sadd.s32 $0xFFFFFEF7, lr;
	s5 =	simm.s32 $0xFFFFFFFF;
	p2 =	slt.u32 s8, $0xFFFFF086  }
0x1c: {  	p1 =	slt.u32 s9, $0xF7A;
	s5 =	simm.s32 @!p2 $0x0  }
0x1d: {  	s5 =	simm.s32 @p1 $0x1;
	p0 =	seq.s32 s7, s2  }
0x1e: {  	s7 =	smul.u32 @!p0 $0xF7A, s2;
	p2 =	seq.s32 @!p0 s5, $0x0  }
0x1f: {  	s9 =	smul.u32 $0xF7A, s1;
	s8 =	simm.s32 @!p0 $0x1BF5;
	p2 =	por !p2, p0  }
0x20: {  	[sflag:s8] =	ssyncset.s32 @!p0 $0xFFFFF086;
	s6 =	sadd.s32 @!p0 s3, s7;
	s7 =	simm.s32 @!p0 $0x108  }
0x21: {  	s3 =	sadd.s32 s3, s9;
	s6 =	sadd.s32 @!p0 $0x88, s6;
	s7 =	simm.s32 @p2 $0x1082  }
0x22: {  	[simem:s7], [sflag:s8] =	dma.local @!p0 [hbm:s6], $0xF7A  }
0x23: {  	s9 =	sor.u32 $0xD0000000, s2;
	s6 =	simm.s32 $0x108;
	_ =	swait.ge @!p0 [sflag:s8], $0x0  }
0x24: {  	s3 =	sadd.s32 $0x88, s3;
	s6 =	simm.s32 @!p1 $0x1082;
	[sflag:s4] =	ssyncset.s32 $0xFFFFF086  }
0x25: {  	[simem:s6], [sflag:s4] =	dma.local [hbm:s3], $0xF7A  }
0x26: {  	[smem:$0x3F93] =	sst s1;
	(tag) =	ssettag s2;
	_ =	strace s9  }
0x27: {  	s1 =	sld [smem:$0x3FA3]  }
0x28: {  	s2 =	sld [smem:$0x3FA4]  }
0x29: {  	s4 =	sld [smem:$0x3FA6]  }
0x2a: {  	p0 =	seq.s32 s5, $0x0;
	s5 =	sld [smem:$0x3FA7]  }
0x2b: {  	s6 =	sld [smem:$0x3FA8]  }
0x2c: {  	s7 =	sld [smem:$0x3FA9]  }
0x2d: {  	s3 =	simm.s32 $0x108;
	s8 =	sld [smem:$0x3FAA]  }
0x2e: {  	s3 =	simm.s32 @!p0 $0x1082;
	s9 =	sld [smem:$0x3FAB]  }
0x2f: {  	lr =	sadd.s32 s0, s3;
	s0 =	sld [smem:$0x3FA2]  }
0x30: {  	s3 =	sld [smem:$0x3FA5]  }
0x31: {  	[smem:$0x3FAE] =	sst s10  }
0x32: {  	s10 =	sld [smem:$0x3FAC];
	_ =	sdelay $0x3  }
0x33: {  	p0 =	seq.s32 s10, $0x1;
	s10 =	sld [smem:$0x3FAE];
	_ =	sdelay $0x3  }
0x34: {  	[smem:$0x3FAE] =	sst s10  }
0x35: {  	s10 =	sld [smem:$0x3FAD];
	_ =	sdelay $0x3  }
0x36: {  	p1 =	seq.s32 s10, $0x1;
	s10 =	sld [smem:$0x3FAE];
	_ =	sdelay $0x3  }
0x37: {  	[smem:$0x3FAE] =	sst s10  }
0x38: {  	s10 =	sld [smem:$0x3FAF]  }
0x39: {  	_ = 	snop;
	(pc) =	sbr.ind lr, $3  }
0x3a: {  	_ = 	snop  }
0x3b: {  	_ = 	snop  }
0x3c: {  	p2 =	seq.s32 s10, $0x1;
	s10 =	sld [smem:$0x3FAE]  }
0x3d: {  	_ =	shalt  }
0x3e: {  	_ =	shalt  }
0x3f: {  	_ =	shalt  }
0x40: {  	_ =	shalt  }
0x41: {  	_ =	shalt  }
0x42: {  	_ =	shalt  }
0x43: {  	_ =	shalt  }
0x44: {  	_ =	shalt  }
0x45: {  	_ =	shalt  }
0x46: {  	_ =	shalt  }
0x47: {  	_ =	shalt  }
0x48: {  	_ =	shalt  }
0x49: {  	_ =	shalt  }
0x4a: {  	_ =	shalt  }
0x4b: {  	_ =	shalt  }
0x4c: {  	_ =	shalt  }
0x4d: {  	_ =	shalt  }
0x4e: {  	_ =	shalt  }
0x4f: {  	_ =	shalt  }
0x50: {  	_ =	shalt  }
0x51: {  	_ =	shalt  }
0x52: {  	_ =	shalt  }
0x53: {  	_ =	shalt  }
0x54: {  	_ =	shalt  }
0x55: {  	_ =	shalt  }
0x56: {  	_ =	shalt  }
0x57: {  	_ =	shalt  }
0x58: {  	_ =	shalt  }
0x59: {  	_ =	shalt  }
0x5a: {  	_ =	shalt  }
0x5b: {  	_ =	shalt  }
0x5c: {  	_ =	shalt  }
0x5d: {  	_ =	shalt  }
0x5e: {  	_ =	shalt  }
0x5f: {  	_ =	shalt  }
0x60: {  	_ =	shalt  }
0x61: {  	_ =	shalt  }
0x62: {  	_ =	shalt  }
0x63: {  	_ =	shalt  }
0x64: {  	_ =	shalt  }
0x65: {  	_ =	shalt  }
0x66: {  	_ =	shalt  }
0x67: {  	_ =	shalt  }
0x68: {  	_ =	shalt  }
0x69: {  	_ =	shalt  }
0x6a: {  	_ =	shalt  }
0x6b: {  	_ =	shalt  }
0x6c: {  	_ =	shalt  }
0x6d: {  	_ =	shalt  }
0x6e: {  	_ =	shalt  }
0x6f: {  	_ =	shalt  }
0x70: {  	_ =	shalt  }
0x71: {  	_ =	shalt  }
0x72: {  	_ =	shalt  }
0x73: {  	_ =	shalt  }
0x74: {  	_ =	shalt  }
0x75: {  	_ =	shalt  }
0x76: {  	_ =	shalt  }
0x77: {  	_ =	shalt  }
0x78: {  	_ =	shalt  }
0x79: {  	_ =	shalt  }
0x7a: {  	_ =	shalt  }
0x7b: {  	_ =	shalt  }
0x7c: {  	_ =	shalt  }
0x7d: {  	_ =	shalt  }
0x7e: {  	_ =	shalt  }
0x7f: {  	_ =	shalt  }
0x80: {  	_ =	shalt  }
0x81: {  	_ =	shalt  }
0x82: {  	_ =	shalt  }
0x83: {  	_ =	shalt  }
0x84: {  	_ =	shalt  }
0x85: {  	_ =	shalt  }
0x86: {  	_ =	shalt  }
0x87: {  	_ =	shalt  }
.Lfunc_end0:
.L_simem_size_0:
called_computation_lowered:
.L_overlay_start_0:
0x88: {  	s2 =	sld [smem:$0x3FD9]  }
0x89: {  	s3 =	sld [smem:$0x3FFE];
	_ =	sdelay $0x1  }
0x8a: {  	s1 =	srdreg.scid  }
0x8b: {  	s0 =	sand.u32 $0x1, s1  }
0x8c: {  	s14 =	sshll.u32 s0, $0xA;
	s2 =	sadd.s32 s3, s2  }
0x8d: {  	s2 =	sadd.s32 s2, s14  }
0x8e: {  	[smem:$0x3FBA] =	sst s2  }
0x8f: {  	_ = 	snop  }
0x90: {  	s2 =	sld [smem:$0x3FD0];
	_ =	sdelay $0x2  }
0x91: {  	s4 =	simm.s32 $0xB;
	s5 =	simm.s32 $0x10;
	s15 =	sld [smem:$0x3FC8]  }
0x92: {  	[smem:s5], [sflag:s4] =	dma.local [hbm:s2], $0x1  }
0x93: {  	_ =	swait.eq [sflag:s4], $0x1  }
0x94: {  	[sflag:s4] =	ssyncset.done $0x0  }
0x95: {  	[sflag:s4] =	ssyncadd.s32 $0xFFFFFFFF  }
0x96: {  	s16 =	sld [smem:$0x10];
	(tm) =	ssettm $0x1  }
0x97: {  	s17 =	sld [smem:$0x3FFB];
	_ =	sdelay $0x3  }
0x98: {  	_ =	strace s17  }
0x99: {  	s4 =	sld [smem:$0x3FFC];
	_ =	sdelay $0x3  }
0x9a: {  	_ =	strace s4  }
0x9b: {  	s4 =	sld [smem:$0x3FFD];
	_ =	sdelay $0x3  }
0x9c: {  	_ =	strace s4  }
0x9d: {  	_ =	strace $0x8FFFFFFF  }
0x9e: {  	s18 =	sld [smem:$0x3FDB];
	_ =	sdelay $0x1  }
0x9f: {  	s19 =	simm.s32 $_scs_section_size  }
0xa0: {  	s6 =	simm.s32 $_size__tile_overlayer_lowered;
	s7 =	simm.s32 $_tile_overlayer_lowered  }
0xa1: {  	s22 =	simm.s32 $0x1BFF;
	s21 =	sshll.u32 s7, $0x1;
	s4 =	sadd.s32 s19, s18  }
0xa2: {  	s8 =	simm.s32 $0x0;
	s20 =	sshll.u32 s6, $0x1;
	s6 =	sadd.s32 s21, s4  }
0xa3: {  	[timem:s8], [sflag:s22] =	dma.local [hbm:s6], s20  }
0xa4: {  	_ =	swait.ge [sflag:s22], s20  }
0xa5: {  	s5 =	ssub.s32 $0x0, s20;
	[sflag:s22] =	ssyncset.done $0x0  }
0xa6: {  	[sflag:s22] =	ssyncadd.s32 s5;
	_ =	sdelay $0x1  }
0xa7: {  	s23 =	simm.s32 $0x1B8B  }
0xa8: {  	_ =	swait.ge [sflag:s23], $0x1  }
0xa9: {  	[sflag:s23] =	ssyncset.done $0x0  }
0xaa: {  	s25 =	simm.s32 $0x1B8E;
	s24 =	sld [smem:$0x3FFE];
	[sflag:s23] =	ssyncadd.s32 $0xFFFFFFFF  }
0xab: {  	s26 =	simm.s32 $execute0_lowered;
	[smem:$0x3FD2] =	sst s25  }
0xac: {  	s6 =	sshll.u32 s26, $0x1;
	_ =	strace $0x80000046;
	[dreg:$0x1] =	wrdreg $0xFFFFFFFF  }
0xad: {  	s28 =	simm.s32 $_size_execute0_lowered;
	s4 =	sadd.s32 s4, s6;
	[dreg:$0x0] =	wrdreg $0x0  }
0xae: {  	s6 =	sshll.u32 s28, $0x1;
	[dreg:$0x2] =	wrdreg s4  }
0xaf: {  	[dreg:$0x3] =	wrdreg s6  }
0xb0: {  	[dreg:$0x4] =	wrdreg $0xC0  }
0xb1: {  	_ =	task [dreg:s8], $0x5FFFF  }
0xb2: {  	[dreg:$0x1] =	wrdreg $0xFFFFFFFF  }
0xb3: {  	[dreg:$0x0] =	wrdreg $0x60  }
0xb4: {  	[dreg:$0x2] =	wrdreg s16  }
0xb5: {  	[dreg:$0x3] =	wrdreg s24  }
0xb6: {  	[dreg:$0x4] =	wrdreg s15  }
0xb7: {  	[dreg:$0x5] =	wrdreg $0xA2000  }
0xb8: {  	[dreg:$0x6] =	wrdreg $0x9  }
0xb9: {  	_ =	task.clear_ibuf [dreg:s8], $0x7FFFF;
	_ =	strace $0x90000046  }
0xba: {  	s29 =	simm.s32 $0x9;
	_ =	strace $0x80000048  }
0xbb: {  	_ =	swait.ge [sflag:s29], $0x1  }
0xbc: {  	[sflag:s29] =	ssyncadd.s32 $0xFFFFFFFF  }
0xbd: {  	_ =	strace $0x90000048  }
0xbe: {  	_ =	sfence  }
0xbf: {  	s30 =	sld [smem:$0x0];
	_ =	sdelay $0x2  }
0xc0: {  	s31 =	sshll.u32 s1, $0xD;
	s1 =	sshrl.u32 s1, $0x2  }
0xc1: {  	s3 =	sand.u32 $0x4000, s31;
	s1 =	sadd.s32 s1, s30  }
0xc2: {  	s0 =	sor.u32 s3, s0;
	s1 =	sshll.u32 s1, $0x11  }
0xc3: {  	s0 =	sor.u32 s1, s0  }
0xc4: {  	s0 =	sadd.s32 $0x8F2B, s0  }
0xc5: {  	[sflag:s0] =	ssyncadd.remote.s32 $0x1  }
0xc6: {  	_ =	sfence.sel $0xFFFF  }
0xc7: {  	[dreg:$0x0] =	wrdreg $0xFFFFFFFF;
	(pc) =	sbr.abs _section_cstart, $3  }
0xc8: {  	[dreg:$0x1] =	wrdreg $0xFFFFFFFF  }
0xc9: {  	_ =	task.clear_ibuf [dreg:s8], $0x2FFFF;
	_ =	strace $0x9FFFFFFF  }
0xca: {  	(tm) =	ssettm $0x7FFFFFFF  }
0xcb: {  	_ =	shalt  }
tec
execute0_lowered:
.L_overlay_start_1:
0x0: {  	(tag) =	ssettag $0x1  }
0x1: {  	s1 =	rddreg [dreg:$0x0]  }
0x2: {  	s0 =	rddreg [dreg:$0x1]  }
0x3: {  	s2 =	rddreg [dreg:$0x2]  }
0x4: {  	s3 =	rddreg [dreg:$0x3]  }
0x5: {  	s4 =	simm.s32 $0x0;
	s5 =	srdreg.scid;
	s19 =	stileid.u32  }
0x6: {  	s20 =	simm.s32 $0x2A00;
	s21 =	simm.s32 $0x5200;
	s28 =	simm.s32 $0x2900  }
0x7: {  	s30 =	simm.s32 $0x0;
	[smem:$0x7FF] =	sst s4;
	s5 =	sand.u32 $0x1, s5  }
0x8: {  	s6 =	sadd.s32 $0x1600, s0;
	s7 =	sadd.s32 $0xD5400, s0;
	s8 =	sadd.s32 $0xD4E00, s0  }
0x9: {  	s12 =	smul.u32 $0x14000, s19;
	s9 =	sadd.s32 $0xD4C00, s0;
	s14 =	sshrl.u32 s19, $0x3  }
0xa: {  	s10 =	sadd.s32 $0xD5A00, s0;
	s15 =	sshll.u32 s19, $0x7;
	s23 =	smul.u32 $0x50000, s19  }
0xb: {  	s29 =	sshll.u32 s19, $0x6;
	s31 =	sshll.u32 s19, $0xC;
	s11 =	smul.u32 $0x140000, s5  }
0xc: {  	s19 =	simm.s32 $0x7A00;
	_ =	strace $0x80000047;
	s13 =	smul.u32 $0x28000, s5  }
0xd: {  	s14 =	smul.u32 $0x14000, s14;
	s22 =	sand.u32 $0x380, s15;
	s25 =	ssub.s32 $0x2, s5  }
0xe: {  	s5 =	sshll.u32 s5, $0xB;
	s26 =	sshrl.u32 s25, $0x1;
	s15 =	sshrl.u32 s23, $0x2  }
0xf: {  	s23 =	simm.s32 $0x80;
	s12 =	sadd.s32 s12, s11;
	s11 =	sadd.s32 $0xD8200, s0  }
0x10: {  	s13 =	sadd.s32 s13, s14;
	s17 =	ssub.s32 s25, s26;
	s18 =	sadd.s32 s15, s3  }
0x11: {  	s25 =	simm.s32 $0x100;
	s12 =	sshrl.u32 s12, $0x3;
	s24 =	sor.u32 s22, s13  }
0x12: {  	s26 =	simm.s32 $0x1;
	s16 =	sadd.s32 s12, s0;
	s12 =	sshrl.u32 s24, $0x3  }
0x13: {  	s13 =	sor.u32 s5, s31;
	s24 =	simm.s32 $0x50;
	s0 =	sadd.s32 s12, s0  }
0x14: {  	s12 =	sor.u32 $0x1C02, s29;
	s14 =	sadd.s32 $0xE2800, s16;
	s16 =	smax.u32 s17, $0x1  }
0x15: {  	s17 =	sshrl.u32 s18, $0x3;
	s18 =	simm.s32 $0x2;
	s15 =	sadd.s32 $0xD8800, s0  }
.LBB2_1:
0x16: {  	[spmem:s17], [sflag:s12] =	dma.local [hbm:s10], $0x2800  }
0x17: {  	_ =	swait.ge [sflag:s18], $0x2800  }
0x18: {  	[sflag:s18] =	ssyncset.done $0x0  }
0x19: {  	[sflag:s18] =	ssyncadd.s32 $0xFFFFD800  }
0x1a: {  	[tilespmem:s19], [sflag:$0x2] =	stream.linear.gather [hbm4b:s11+s4], $0x2800, $0x38;
	[tilespmem:$0x1E200] =	vst v63  }
0x1b: {  	_ =	swait.ge [sflag:s18], $0x2800  }
0x1c: {  	[sflag:s18] =	ssyncset.done $0x0  }
0x1d: {  	[sflag:s18] =	ssyncadd.s32 $0xFFFFD800  }
0x1e: {  	[tilespmem:s20], [sflag:$0x2] =	stream.linear.gather [hbm4b:s7+s4], $0x2800, $0x38;
	[tilespmem:$0x1E200] =	vst v63  }
0x1f: {  	_ =	swait.ge [sflag:s18], $0x2800  }
0x20: {  	[sflag:s18] =	ssyncset.done $0x0  }
0x21: {  	[sflag:s18] =	ssyncadd.s32 $0xFFFFD800  }
0x22: {  	[tilespmem:s21], [sflag:$0x2] =	stream.linear.gather [hbm4b:s8+s4], $0x2800, $0x38;
	[tilespmem:$0x1E200] =	vst v63  }
0x23: {  	_ =	swait.ge [sflag:s18], $0x2800  }
0x24: {  	[sflag:s18] =	ssyncset.done $0x0  }
0x25: {  	s0 =	simm.s32 $0x2980;
	[sflag:s18] =	ssyncadd.s32 $0xFFFFD800  }
0x26: {  	[tilespmem:s0], [sflag:$0x2] =	stream.linear.gather [hbm4b:s9+s4], $0x80, $0x38;
	[tilespmem:$0x1E200] =	vst v63  }
0x27: {  	_ =	swait.ge [sflag:s18], $0x80  }
0x28: {  	[sflag:s18] =	ssyncset.done $0x0  }
0x29: {  	[sflag:s18] =	ssyncadd.s32 $0xFFFFFF80  }
0x2a: {  	s31 =	simm.s32 $0x0;
	[bflag:$0x0] =	sbarrier.arrive $0xFFFF  }
.LBB2_2:
0x2b: {  	s0 =	sshll.u32 s31, $0x4  }
0x2c: {  	s5 =	sadd.s32 s13, s0  }
0x2d: {  	s29 =	simm.s32 $0x0;
	s22 =	sadd.s32 s1, s5  }
0x2e: {  	[tilespmem:s29], [sflag:$0x2] =	stream.linear.gather [hbm4b:s22+s29], $0x80, $0x38;
	[tilespmem:$0x1E200] =	vst v63  }
0x2f: {  	_ =	swait.ge [sflag:s18], $0x80  }
0x30: {  	[sflag:s18] =	ssyncset.done $0x0  }
0x31: {  	s5 =	sadd.s32 s6, s5;
	[sflag:s18] =	ssyncadd.s32 $0xFFFFFF80  }
0x32: {  	[tilespmem:s23], [sflag:$0x2] =	stream.linear.gather [hbm4b:s5+s29], $0x80, $0x38;
	[tilespmem:$0x1E200] =	vst v63  }
0x33: {  	_ =	swait.ge [sflag:s18], $0x80  }
0x34: {  	[sflag:s18] =	ssyncset.done $0x0  }
0x35: {  	[sflag:s18] =	ssyncadd.s32 $0xFFFFFF80  }
0x36: {  	[tilespmem:s25], [sflag:$0x1] =	stream.indirect.gather [hbm4b:s2+s24], $0x80, s29, s24, $0xb8;
	[tilespmem:$0x1E200] =	vst v63  }
0x37: {  	v0 =	vld [tilespmem:$0x0]  }
0x38: {  	v1 =	vld [tilespmem:$0x80];
	_ =	sdelay $0x5  }
0x39: {  	v2 =	vld [tilespmem:$0x2980]  }
0x3a: {  	v0 =	vld.idx.msk [tilespmem:v0+s20+$0x0], $0xffff  }
0x3b: {  	v3 =	vld.idx.msk [tilespmem:v1+s21+$0x0], $0xffff;
	_ =	sdelay $0x4  }
0x3c: {  	v0 =	vadd.f32 v3, v0;
	v3 =	vadd.f32 v3, v2;
	_ =	sdelay $0x1  }
0x3d: {  	v4 =	vmul.f32 $9.999999770e-03, v0;
	v5 =	vmul.f32 $9.999999770e-03, v3  }
0x3e: {  	vm0 =	vgt.f32 v0, $0.0e+00;
	vm1 =	vgt.f32 v3, $0.0e+00  }
0x3f: {  	v0 =	vsel vm0, v0, v4;
	v3 =	vsel vm1, v3, v5  }
0x40: {  	v0 =	vsub.f32 v0, v3;
	_ =	sdelay $0x1  }
0x41: {  	v0 =	vmul.f32 $1.442695020e+00, v0;
	_ =	sdelay $0x1  }
0x42: {  	(erf) = vpow2.f32 v0;
	_ =	sdelay $0x8  }
0x43: {  	v0 =	vpop (erf)  }
0x44: {  	[tilespmem:$0x2900] =	vst v0  }
0x45: {  	[tilespmem:v1+s19+$0x0] =	vst.idx.add.f32.msk $0xffff, v0  }
0x46: {  	v0 =	vld [tilespmem:$0x10]  }
0x47: {  	v1 =	vld [tilespmem:$0x90];
	_ =	sdelay $0x6  }
0x48: {  	v0 =	vld.idx.msk [tilespmem:v0+s20+$0x0], $0xffff  }
0x49: {  	v3 =	vld.idx.msk [tilespmem:v1+s21+$0x0], $0xffff;
	_ =	sdelay $0x4  }
0x4a: {  	v0 =	vadd.f32 v3, v0;
	v3 =	vadd.f32 v3, v2;
	_ =	sdelay $0x1  }
0x4b: {  	v4 =	vmul.f32 $9.999999770e-03, v0;
	v5 =	vmul.f32 $9.999999770e-03, v3  }
0x4c: {  	vm8 =	vgt.f32 v0, $0.0e+00;
	vm9 =	vgt.f32 v3, $0.0e+00  }
0x4d: {  	v0 =	vsel vm8, v0, v4;
	v3 =	vsel vm9, v3, v5  }
0x4e: {  	v0 =	vsub.f32 v0, v3;
	_ =	sdelay $0x1  }
0x4f: {  	v0 =	vmul.f32 $1.442695020e+00, v0;
	_ =	sdelay $0x1  }
0x50: {  	(erf) = vpow2.f32 v0;
	_ =	sdelay $0x8  }
0x51: {  	v0 =	vpop (erf)  }
0x52: {  	[tilespmem:$0x2910] =	vst v0  }
0x53: {  	[tilespmem:v1+s19+$0x0] =	vst.idx.add.f32.msk $0xffff, v0  }
0x54: {  	v0 =	vld [tilespmem:$0x20]  }
0x55: {  	v1 =	vld [tilespmem:$0xA0];
	_ =	sdelay $0x6  }
0x56: {  	v0 =	vld.idx.msk [tilespmem:v0+s20+$0x0], $0xffff  }
0x57: {  	v3 =	vld.idx.msk [tilespmem:v1+s21+$0x0], $0xffff;
	_ =	sdelay $0x4  }
0x58: {  	v0 =	vadd.f32 v3, v0;
	v3 =	vadd.f32 v3, v2;
	_ =	sdelay $0x1  }
0x59: {  	v4 =	vmul.f32 $9.999999770e-03, v0;
	v5 =	vmul.f32 $9.999999770e-03, v3  }
0x5a: {  	vm10 =	vgt.f32 v0, $0.0e+00;
	vm11 =	vgt.f32 v3, $0.0e+00  }
0x5b: {  	v0 =	vsel vm10, v0, v4;
	v3 =	vsel vm11, v3, v5  }
0x5c: {  	v0 =	vsub.f32 v0, v3;
	_ =	sdelay $0x1  }
0x5d: {  	v0 =	vmul.f32 $1.442695020e+00, v0;
	_ =	sdelay $0x1  }
0x5e: {  	(erf) = vpow2.f32 v0;
	_ =	sdelay $0x8  }
0x5f: {  	v0 =	vpop (erf)  }
0x60: {  	[tilespmem:$0x2920] =	vst v0  }
0x61: {  	[tilespmem:v1+s19+$0x0] =	vst.idx.add.f32.msk $0xffff, v0  }
0x62: {  	v0 =	vld [tilespmem:$0x30]  }
0x63: {  	v1 =	vld [tilespmem:$0xB0];
	_ =	sdelay $0x6  }
0x64: {  	v0 =	vld.idx.msk [tilespmem:v0+s20+$0x0], $0xffff  }
0x65: {  	v3 =	vld.idx.msk [tilespmem:v1+s21+$0x0], $0xffff;
	_ =	sdelay $0x4  }
0x66: {  	v0 =	vadd.f32 v3, v0;
	v3 =	vadd.f32 v3, v2;
	_ =	sdelay $0x1  }
0x67: {  	v4 =	vmul.f32 $9.999999770e-03, v0;
	v5 =	vmul.f32 $9.999999770e-03, v3  }
0x68: {  	vm12 =	vgt.f32 v0, $0.0e+00;
	vm13 =	vgt.f32 v3, $0.0e+00  }
0x69: {  	v0 =	vsel vm12, v0, v4;
	v3 =	vsel vm13, v3, v5  }
0x6a: {  	v0 =	vsub.f32 v0, v3;
	_ =	sdelay $0x1  }
0x6b: {  	v0 =	vmul.f32 $1.442695020e+00, v0;
	_ =	sdelay $0x1  }
0x6c: {  	(erf) = vpow2.f32 v0;
	_ =	sdelay $0x8  }
0x6d: {  	v0 =	vpop (erf)  }
0x6e: {  	[tilespmem:$0x2930] =	vst v0  }
0x6f: {  	[tilespmem:v1+s19+$0x0] =	vst.idx.add.f32.msk $0xffff, v0  }
0x70: {  	v0 =	vld [tilespmem:$0x40]  }
0x71: {  	v1 =	vld [tilespmem:$0xC0];
	_ =	sdelay $0x6  }
0x72: {  	v0 =	vld.idx.msk [tilespmem:v0+s20+$0x0], $0xffff  }
0x73: {  	v3 =	vld.idx.msk [tilespmem:v1+s21+$0x0], $0xffff;
	_ =	sdelay $0x4  }
0x74: {  	v0 =	vadd.f32 v3, v0;
	v2 =	vadd.f32 v3, v2;
	_ =	sdelay $0x1  }
0x75: {  	v3 =	vmul.f32 $9.999999770e-03, v0;
	v4 =	vmul.f32 $9.999999770e-03, v2  }
0x76: {  	vm14 =	vgt.f32 v0, $0.0e+00;
	vm15 =	vgt.f32 v2, $0.0e+00  }
0x77: {  	v0 =	vsel vm14, v0, v3;
	v2 =	vsel vm15, v2, v4  }
0x78: {  	v0 =	vsub.f32 v0, v2;
	_ =	sdelay $0x1  }
0x79: {  	v0 =	vmul.f32 $1.442695020e+00, v0;
	_ =	sdelay $0x1  }
0x7a: {  	(erf) = vpow2.f32 v0;
	_ =	sdelay $0x8  }
0x7b: {  	v0 =	vpop (erf)  }
0x7c: {  	[tilespmem:$0x2940] =	vst v0  }
0x7d: {  	[tilespmem:v1+s19+$0x0] =	vst.idx.add.f32.msk $0xffff, v0  }
0x7e: {  	_ =	swait.ge [sflag:s26], $0x2800  }
0x7f: {  	v0 =	vmov s29;
	[sflag:s26] =	ssyncset.done $0x0  }
0x80: {  	s0 =	simm.s32 $0x140;
	[sflag:s26] =	ssyncadd.s32 $0xFFFFD800  }
0x81: {  	v4 =	vld [tilespmem:s0+$0x30]  }
0x82: {  	v7 =	vld [tilespmem:s0+$0x10]  }
0x83: {  	v5 =	vld [tilespmem:s0+$0xFFFFFFC0]  }
0x84: {  	v1 =	vld.idx.msk [tilespmem:v0+s28+$0x0], $0xffff  }
0x85: {  	v9 =	vld [tilespmem:s0+$0xFFFFFFE0]  }
0x86: {  	v2 =	vld [tilespmem:s0+$0x20]  }
0x87: {  	v3 =	vld [tilespmem:s0+$0xFFFFFFD0]  }
0x88: {  	v0 =	vld [tilespmem:s0+$0xFFFFFFF0]  }
0x89: {  	v8 =	vmul.f32 v4, v1;
	v4 =	vld [tilespmem:s0+$0x0]  }
0x8a: {  	v6 =	vmul.f32 v5, v1  }
0x8b: {  	s22 =	simm.s32 $0x140;
	s5 =	simm.s32 $0x1;
	v5 =	vmul.f32 v9, v1;
	v7 =	vmul.f32 v7, v1  }
.LBB2_3:
0x8c: {  	p0 =	sne.s32 s5, $0x4F  }
0x8d: {  	v3 =	vmul.f32 v3, v1;
	v2 =	vmul.f32 v2, v1;
	[tilespmem:s0+$0x30] =	vst v8;
	s22 =	sadd.s32 $0x80, s22;
	s29 =	smov.u32 s5;
	s5 =	sadd.s32 $0x1, s5  }
0x8e: {  	[tilespmem:s0+$0xFFFFFFC0] =	vst v6;
	v6 =	vmul.f32 v0, v1;
	v1 =	vmul.f32 v4, v1  }
0x8f: {  	[tilespmem:s0+$0x10] =	vst v7  }
0x90: {  	v4 =	vmov s29;
	[tilespmem:s0+$0xFFFFFFE0] =	vst v5  }
0x91: {  	v0 =	vld [tilespmem:s22+$0xFFFFFFF0];
	[tilespmem:s0+$0xFFFFFFF0] =	vst v6  }
0x92: {  	v5 =	vld [tilespmem:s22+$0x30];
	[tilespmem:s0+$0x0] =	vst v1  }
0x93: {  	v7 =	vld [tilespmem:s22+$0x10];
	[tilespmem:s0+$0x20] =	vst v2  }
0x94: {  	v6 =	vld [tilespmem:s22+$0xFFFFFFC0];
	[tilespmem:s0+$0xFFFFFFD0] =	vst v3;
	s0 =	smov.u32 s22  }
0x95: {  	v1 =	vld.idx.msk [tilespmem:v4+s28+$0x0], $0xffff  }
0x96: {  	v9 =	vld [tilespmem:s22+$0xFFFFFFE0]  }
0x97: {  	v2 =	vld [tilespmem:s22+$0x20]  }
.Ltmp0:
0x98: {  	v3 =	vld [tilespmem:s22+$0xFFFFFFD0];
	(pc) =	sbr.rel @p0 .LBB2_3-.Ltmp0, $3  }
0x99: {  	v4 =	vld [tilespmem:s22+$0x0];
	_ =	sdelay $0x1  }
0x9a: {  	v6 =	vmul.f32 v6, v1;
	v8 =	vmul.f32 v5, v1  }
0x9b: {  	v7 =	vmul.f32 v7, v1;
	v5 =	vmul.f32 v9, v1  }
0x9c: {  	[tilespmem:s0+$0x30] =	vst v8  }
0x9d: {  	[tilespmem:s0+$0xFFFFFFC0] =	vst v6  }
0x9e: {  	v0 =	vmul.f32 v0, v1;
	[tilespmem:s0+$0x10] =	vst v7  }
0x9f: {  	v2 =	vmul.f32 v2, v1;
	[tilespmem:s0+$0xFFFFFFE0] =	vst v5  }
0xa0: {  	v63 =	vmul.f32 v3, v1;
	[tilespmem:s0+$0xFFFFFFF0] =	vst v0  }
0xa1: {  	s31 =	sadd.s32 $0x1, s31;
	v4 =	vmul.f32 v4, v1;
	[tilespmem:s0+$0x20] =	vst v2  }
0xa2: {  	p0 =	sne.s32 s31, $0x7D;
	[tilespmem:s0+$0xFFFFFFD0] =	vst v63  }
.Ltmp1:
0xa3: {  	[tilespmem:s0+$0x0] =	vst v4;
	(pc) =	sbr.rel @p0 .LBB2_2-.Ltmp1, $4  }
0xa4: {  	[spmem:s3] =	stream.indirect.scatter.add.f32 [tilespmem:s25], [sflag:$0x2], $0x80, s23, s24, $0xb8;
	[tilespmem:$0x1E200] =	vst v63  }
0xa5: {  	_ =	swait.ge [sflag:s18], $0x2800  }
0xa6: {  	[sflag:s18] =	ssyncset.done $0x0  }
0xa7: {  	[sflag:s18] =	ssyncadd.s32 $0xFFFFD800  }
0xa8: {  	[bflag:$0x0] =	sbarrier.arrive $0xFFFF  }
0xa9: {  	[hbm:s14], [sflag:s12] =	dma.local [spmem:s17], $0x2800  }
0xaa: {  	s30 =	sadd.s32 $0x1, s30;
	_ =	swait.ge [sflag:s18], $0x2800  }
0xab: {  	p0 =	sne.s32 s30, s16;
	[sflag:s18] =	ssyncset.done $0x0  }
.Ltmp2:
0xac: {  	s0 =	simm.s32 $0x400;
	[sflag:s18] =	ssyncadd.s32 $0xFFFFD800;
	(pc) =	sbr.rel @p0 .LBB2_1-.Ltmp2, $4  }
0xad: {  	[hbm4b:s15+s23] =	stream.strided.scatter [tilespmem:s19], [sflag:$0x2], $0x2800, s0, s23, $0x38;
	[tilespmem:$0x1E200] =	vst v63  }
0xae: {  	_ =	swait.ge [sflag:s18], $0x2800  }
0xaf: {  	[sflag:s18] =	ssyncset.done $0x0  }
0xb0: {  	[sflag:s18] =	ssyncadd.s32 $0xFFFFD800  }
0xb1: {  	_ =	sfence.sel $0x180000  }
0xb2: {  	[bflag:$0x0] =	sbarrier.arrive $0xFFFF  }
0xb3: {  	_ =	strace $0x90000047  }
0xb4: {  	s0 =	stileid.u32;
	[bflag:$0x2] =	sbarrier.arrive $0xFFFF  }
0xb5: {  	p0 =	sne.s32 s0, $0x0;
	s0 =	rddreg [dreg:$0x4]  }
0xb6: {  	s0 =	sadd.s32 @!p0 $0x100000, s0  }
0xb7: {  	[sflag:s0] =	ssyncadd.tile.s32 @!p0 $0x1;
	_ =	shalt  }
.Lfunc_end2:
_tile_overlayer_lowered:
.L_overlay_start_2:
0xb8: {  	(tag) =	ssettag $0x2  }
0xb9: {  	s0 =	rddreg [dreg:$0x0];
	s2 =	stileid.u32  }
0xba: {  	s1 =	rddreg [dreg:$0x1];
	p0 =	sne.s32 s2, $0x0  }
0xbb: {  	s3 =	rddreg [dreg:$0x2];
	[bflag:$0x3] =	sbarrier.arrive $0xFFFF;
	s2 =	simm.s32 @!p0 $0x1C02  }
0xbc: {  	[timem:s3], [sflag:s2] =	dma.local @!p0 [hbm:s0], s1  }
0xbd: {  	s0 =	simm.s32 @!p0 $0x2  }
0xbe: {  	_ =	swait.ge @!p0 [sflag:s0], s1  }
0xbf: {  	s1 =	ssub.s32 @!p0 $0x0, s1;
	[sflag:s0] =	ssyncset.done @!p0 $0x0  }
0xc0: {  	[sflag:s0] =	ssyncadd.s32 @!p0 s1  }
0xc1: {  	[bflag:$0x3] =	sbarrier.arrive $0xFFFF  }
0xc2: {  	_ =	shalt  }

// kernel: kernel.9.cloned.1.call-start
scs
__scs_entry_jumppad:
0x0: {  	(pc) =	sbr.rel $0x88, $3  }
0x1: {  	(tag) =	ssettag $0x0;
	lr =	simm.s32 $0x1  }
0x2: {  	[smem:$0x3F93] =	sst lr;
	_ =	strace $0xD0000000  }
0x3: {  	_ = 	snop  }
0x4: {  	_ = 	snop  }
0x5: {  	_ = 	snop  }
0x6: {  	_ = 	snop  }
0x7: {  	_ = 	snop  }
__scs_overlays_trampoline_lowered:
0x8: {  	[smem:$0x3FA2] =	sst s0  }
0x9: {  	[smem:$0x3FA3] =	sst s1  }
0xa: {  	[smem:$0x3FA4] =	sst s2  }
0xb: {  	[smem:$0x3FA5] =	sst s3  }
0xc: {  	[smem:$0x3FA6] =	sst s4  }
0xd: {  	[smem:$0x3FA7] =	sst s5  }
0xe: {  	[smem:$0x3FA8] =	sst s6  }
0xf: {  	[smem:$0x3FA9] =	sst s7  }
0x10: {  	[smem:$0x3FAA] =	sst s8  }
0x11: {  	[smem:$0x3FAB] =	sst s9;
	s0 =	simm.s32 @!p0 $0x0  }
0x12: {  	s1 =	sld [smem:$0x3F91];
	s0 =	simm.s32 @p0 $0x1  }
0x13: {  	[smem:$0x3FAC] =	sst s0;
	s0 =	simm.s32 @!p1 $0x0  }
0x14: {  	s2 =	sld [smem:$0x3F90];
	s0 =	simm.s32 @p1 $0x1  }
0x15: {  	[smem:$0x3FAD] =	sst s0;
	s0 =	simm.s32 @!p2 $0x0  }
0x16: {  	s3 =	sld [smem:$0x3FDB];
	s0 =	simm.s32 @p2 $0x1  }
0x17: {  	s4 =	simm.s32 $0x1BF5;
	[smem:$0x3FAF] =	sst s0  }
0x18: {  	s0 =	sld [smem:$0x3F92];
	_ =	swait.ge [sflag:s4], $0x0  }
0x19: {  	s7 =	sld [smem:$0x3F93]  }
0x1a: {  	s8 =	sadd.s32 $0xFFFFE003, lr  }
0x1b: {  	s9 =	sadd.s32 $0xFFFFFEF7, lr;
	s5 =	simm.s32 $0xFFFFFFFF;
	p2 =	slt.u32 s8, $0xFFFFF086  }
0x1c: {  	p1 =	slt.u32 s9, $0xF7A;
	s5 =	simm.s32 @!p2 $0x0  }
0x1d: {  	s5 =	simm.s32 @p1 $0x1;
	p0 =	seq.s32 s7, s2  }
0x1e: {  	s7 =	smul.u32 @!p0 $0xF7A, s2;
	p2 =	seq.s32 @!p0 s5, $0x0  }
0x1f: {  	s9 =	smul.u32 $0xF7A, s1;
	s8 =	simm.s32 @!p0 $0x1BF5;
	p2 =	por !p2, p0  }
0x20: {  	[sflag:s8] =	ssyncset.s32 @!p0 $0xFFFFF086;
	s6 =	sadd.s32 @!p0 s3, s7;
	s7 =	simm.s32 @!p0 $0x108  }
0x21: {  	s3 =	sadd.s32 s3, s9;
	s6 =	sadd.s32 @!p0 $0x88, s6;
	s7 =	simm.s32 @p2 $0x1082  }
0x22: {  	[simem:s7], [sflag:s8] =	dma.local @!p0 [hbm:s6], $0xF7A  }
0x23: {  	s9 =	sor.u32 $0xD0000000, s2;
	s6 =	simm.s32 $0x108;
	_ =	swait.ge @!p0 [sflag:s8], $0x0  }
0x24: {  	s3 =	sadd.s32 $0x88, s3;
	s6 =	simm.s32 @!p1 $0x1082;
	[sflag:s4] =	ssyncset.s32 $0xFFFFF086  }
0x25: {  	[simem:s6], [sflag:s4] =	dma.local [hbm:s3], $0xF7A  }
0x26: {  	[smem:$0x3F93] =	sst s1;
	(tag) =	ssettag s2;
	_ =	strace s9  }
0x27: {  	s1 =	sld [smem:$0x3FA3]  }
0x28: {  	s2 =	sld [smem:$0x3FA4]  }
0x29: {  	s4 =	sld [smem:$0x3FA6]  }
0x2a: {  	p0 =	seq.s32 s5, $0x0;
	s5 =	sld [smem:$0x3FA7]  }
0x2b: {  	s6 =	sld [smem:$0x3FA8]  }
0x2c: {  	s7 =	sld [smem:$0x3FA9]  }
0x2d: {  	s3 =	simm.s32 $0x108;
	s8 =	sld [smem:$0x3FAA]  }
0x2e: {  	s3 =	simm.s32 @!p0 $0x1082;
	s9 =	sld [smem:$0x3FAB]  }
0x2f: {  	lr =	sadd.s32 s0, s3;
	s0 =	sld [smem:$0x3FA2]  }
0x30: {  	s3 =	sld [smem:$0x3FA5]  }
0x31: {  	[smem:$0x3FAE] =	sst s10  }
0x32: {  	s10 =	sld [smem:$0x3FAC];
	_ =	sdelay $0x3  }
0x33: {  	p0 =	seq.s32 s10, $0x1;
	s10 =	sld [smem:$0x3FAE];
	_ =	sdelay $0x3  }
0x34: {  	[smem:$0x3FAE] =	sst s10  }
0x35: {  	s10 =	sld [smem:$0x3FAD];
	_ =	sdelay $0x3  }
0x36: {  	p1 =	seq.s32 s10, $0x1;
	s10 =	sld [smem:$0x3FAE];
	_ =	sdelay $0x3  }
0x37: {  	[smem:$0x3FAE] =	sst s10  }
0x38: {  	s10 =	sld [smem:$0x3FAF]  }
0x39: {  	_ = 	snop;
	(pc) =	sbr.ind lr, $3  }
0x3a: {  	_ = 	snop  }
0x3b: {  	_ = 	snop  }
0x3c: {  	p2 =	seq.s32 s10, $0x1;
	s10 =	sld [smem:$0x3FAE]  }
0x3d: {  	_ =	shalt  }
0x3e: {  	_ =	shalt  }
0x3f: {  	_ =	shalt  }
0x40: {  	_ =	shalt  }
0x41: {  	_ =	shalt  }
0x42: {  	_ =	shalt  }
0x43: {  	_ =	shalt  }
0x44: {  	_ =	shalt  }
0x45: {  	_ =	shalt  }
0x46: {  	_ =	shalt  }
0x47: {  	_ =	shalt  }
0x48: {  	_ =	shalt  }
0x49: {  	_ =	shalt  }
0x4a: {  	_ =	shalt  }
0x4b: {  	_ =	shalt  }
0x4c: {  	_ =	shalt  }
0x4d: {  	_ =	shalt  }
0x4e: {  	_ =	shalt  }
0x4f: {  	_ =	shalt  }
0x50: {  	_ =	shalt  }
0x51: {  	_ =	shalt  }
0x52: {  	_ =	shalt  }
0x53: {  	_ =	shalt  }
0x54: {  	_ =	shalt  }
0x55: {  	_ =	shalt  }
0x56: {  	_ =	shalt  }
0x57: {  	_ =	shalt  }
0x58: {  	_ =	shalt  }
0x59: {  	_ =	shalt  }
0x5a: {  	_ =	shalt  }
0x5b: {  	_ =	shalt  }
0x5c: {  	_ =	shalt  }
0x5d: {  	_ =	shalt  }
0x5e: {  	_ =	shalt  }
0x5f: {  	_ =	shalt  }
0x60: {  	_ =	shalt  }
0x61: {  	_ =	shalt  }
0x62: {  	_ =	shalt  }
0x63: {  	_ =	shalt  }
0x64: {  	_ =	shalt  }
0x65: {  	_ =	shalt  }
0x66: {  	_ =	shalt  }
0x67: {  	_ =	shalt  }
0x68: {  	_ =	shalt  }
0x69: {  	_ =	shalt  }
0x6a: {  	_ =	shalt  }
0x6b: {  	_ =	shalt  }
0x6c: {  	_ =	shalt  }
0x6d: {  	_ =	shalt  }
0x6e: {  	_ =	shalt  }
0x6f: {  	_ =	shalt  }
0x70: {  	_ =	shalt  }
0x71: {  	_ =	shalt  }
0x72: {  	_ =	shalt  }
0x73: {  	_ =	shalt  }
0x74: {  	_ =	shalt  }
0x75: {  	_ =	shalt  }
0x76: {  	_ =	shalt  }
0x77: {  	_ =	shalt  }
0x78: {  	_ =	shalt  }
0x79: {  	_ =	shalt  }
0x7a: {  	_ =	shalt  }
0x7b: {  	_ =	shalt  }
0x7c: {  	_ =	shalt  }
0x7d: {  	_ =	shalt  }
0x7e: {  	_ =	shalt  }
0x7f: {  	_ =	shalt  }
0x80: {  	_ =	shalt  }
0x81: {  	_ =	shalt  }
0x82: {  	_ =	shalt  }
0x83: {  	_ =	shalt  }
0x84: {  	_ =	shalt  }
0x85: {  	_ =	shalt  }
0x86: {  	_ =	shalt  }
0x87: {  	_ =	shalt  }
.Lfunc_end0:
.L_simem_size_0:
called_computation.1_lowered:
.L_overlay_start_0:
0x88: {  	s2 =	sld [smem:$0x3FD9]  }
0x89: {  	s3 =	sld [smem:$0x3FFE];
	_ =	sdelay $0x1  }
0x8a: {  	s1 =	srdreg.scid  }
0x8b: {  	s0 =	sand.u32 $0x1, s1  }
0x8c: {  	s15 =	sshll.u32 s0, $0xA;
	s2 =	sadd.s32 s3, s2  }
0x8d: {  	s2 =	sadd.s32 s2, s15  }
0x8e: {  	[smem:$0x3FBA] =	sst s2  }
0x8f: {  	_ = 	snop  }
0x90: {  	s2 =	sld [smem:$0x3FD0];
	_ =	sdelay $0x2  }
0x91: {  	s4 =	simm.s32 $0xB;
	s16 =	simm.s32 $0x10  }
0x92: {  	[smem:s16], [sflag:s4] =	dma.local [hbm:s2], $0x1  }
0x93: {  	_ =	swait.eq [sflag:s4], $0x1  }
0x94: {  	[sflag:s4] =	ssyncset.done $0x0  }
0x95: {  	s17 =	sld [smem:$0x10];
	[sflag:s4] =	ssyncadd.s32 $0xFFFFFFFF  }
0x96: {  	s18 =	sld [smem:$0x11];
	(tm) =	ssettm $0x1  }
0x97: {  	s19 =	sld [smem:$0x3FFB];
	_ =	sdelay $0x3  }
0x98: {  	_ =	strace s19  }
0x99: {  	s2 =	sld [smem:$0x3FFC];
	_ =	sdelay $0x3  }
0x9a: {  	_ =	strace s2  }
0x9b: {  	s2 =	sld [smem:$0x3FFD];
	_ =	sdelay $0x3  }
0x9c: {  	_ =	strace s2  }
0x9d: {  	_ =	strace $0x8FFFFFFF  }
0x9e: {  	s20 =	sld [smem:$0x3FDB];
	_ =	sdelay $0x1  }
0x9f: {  	s5 =	simm.s32 $_scs_section_size  }
0xa0: {  	s6 =	simm.s32 $_size__tile_overlayer_lowered;
	s7 =	simm.s32 $_tile_overlayer_lowered  }
0xa1: {  	s8 =	simm.s32 $0x1BFF;
	s21 =	sshll.u32 s7, $0x1;
	s5 =	sadd.s32 s5, s20  }
0xa2: {  	s22 =	simm.s32 $0x0;
	s6 =	sshll.u32 s6, $0x1;
	s7 =	sadd.s32 s21, s5  }
0xa3: {  	[timem:s22], [sflag:s8] =	dma.local [hbm:s7], s6  }
0xa4: {  	_ =	swait.ge [sflag:s8], s6  }
0xa5: {  	s6 =	ssub.s32 $0x0, s6;
	[sflag:s8] =	ssyncset.done $0x0  }
0xa6: {  	[sflag:s8] =	ssyncadd.s32 s6;
	_ =	sdelay $0x1  }
0xa7: {  	s23 =	simm.s32 $0x1B8B  }
0xa8: {  	_ =	swait.ge [sflag:s23], $0x1  }
0xa9: {  	[sflag:s23] =	ssyncset.done $0x0  }
0xaa: {  	[sflag:s23] =	ssyncadd.s32 $0xFFFFFFFF  }
0xab: {  	s6 =	sld [smem:$0x0]  }
0xac: {  	s7 =	sand.u32 $0xFFFFFFFE, s1  }
0xad: {  	p0 =	sne.s32 s1, s7  }
0xae: {  	s7 =	sshll.u32 @p0 s7, $0xE  }
0xaf: {  	s7 =	sadd.s32 @p0 $0x11B8D, s7;
	s8 =	sshll.u32 @p0 s6, $0x11  }
0xb0: {  	s7 =	sor.u32 @p0 s8, s7  }
0xb1: {  	[sflag:s7] =	ssyncadd.remote.s32 @p0 $0x1;
	_ =	sdelay $0x1  }
0xb2: {  	s7 =	simm.s32 @p0 $0x1B8D  }
0xb3: {  	_ =	swait.eq @p0 [sflag:s7], $0x1  }
0xb4: {  	[sflag:s7] =	ssyncadd.s32 @p0 $0xFFFFFFFF  }
0xb5: {  	s8 =	sshll.u32 @!p0 s1, $0xE  }
0xb6: {  	s8 =	sor.u32 @!p0 $0x4000, s8;
	s7 =	simm.s32 @!p0 $0x1B8D  }
0xb7: {  	s6 =	sshll.u32 @!p0 s6, $0x11;
	s8 =	sadd.s32 @!p0 $0x11B8D, s8;
	_ =	swait.eq @!p0 [sflag:s7], $0x1  }
0xb8: {  	s6 =	sor.u32 @!p0 s6, s8;
	[sflag:s7] =	ssyncadd.s32 @!p0 $0xFFFFFFFF  }
0xb9: {  	s25 =	simm.s32 $0x1B8E;
	s24 =	sld [smem:$0x3FFE];
	[sflag:s6] =	ssyncadd.remote.s32 @!p0 $0x1  }
0xba: {  	s26 =	simm.s32 $execute0_lowered;
	[smem:$0x3FD2] =	sst s25  }
0xbb: {  	s7 =	sshll.u32 s26, $0x1;
	_ =	strace $0x80000049;
	[dreg:$0x1] =	wrdreg $0xFFFFFFFF  }
0xbc: {  	s28 =	simm.s32 $_size_execute0_lowered;
	s5 =	sadd.s32 s5, s7;
	[dreg:$0x0] =	wrdreg $0x0  }
0xbd: {  	s7 =	sshll.u32 s28, $0x1;
	[dreg:$0x2] =	wrdreg s5  }
0xbe: {  	[dreg:$0x3] =	wrdreg s7  }
0xbf: {  	[dreg:$0x4] =	wrdreg $0xC0  }
0xc0: {  	_ =	task [dreg:s22], $0x5FFFF  }
0xc1: {  	[dreg:$0x1] =	wrdreg $0xFFFFFFFF  }
0xc2: {  	[dreg:$0x0] =	wrdreg $0x60  }
0xc3: {  	[dreg:$0x2] =	wrdreg s17  }
0xc4: {  	[dreg:$0x3] =	wrdreg s24  }
0xc5: {  	[dreg:$0x4] =	wrdreg s18  }
0xc6: {  	[dreg:$0x5] =	wrdreg $0x79000  }
0xc7: {  	[dreg:$0x6] =	wrdreg $0xA  }
0xc8: {  	_ =	task.clear_ibuf [dreg:s22], $0x7FFFF;
	_ =	strace $0x90000049  }
0xc9: {  	s29 =	simm.s32 $0xA;
	_ =	strace $0x8000004B  }
0xca: {  	_ =	swait.ge [sflag:s29], $0x1  }
0xcb: {  	[sflag:s29] =	ssyncadd.s32 $0xFFFFFFFF  }
0xcc: {  	_ =	strace $0x9000004B  }
0xcd: {  	_ =	sfence  }
0xce: {  	s30 =	sld [smem:$0x0];
	_ =	sdelay $0x2  }
0xcf: {  	s31 =	sshll.u32 s1, $0xD;
	s1 =	sshrl.u32 s1, $0x2  }
0xd0: {  	s4 =	sand.u32 $0x4000, s31;
	s1 =	sadd.s32 s1, s30  }
0xd1: {  	s0 =	sor.u32 s4, s0;
	s1 =	sshll.u32 s1, $0x11  }
0xd2: {  	s0 =	sor.u32 s1, s0  }
0xd3: {  	s0 =	sadd.s32 $0x8F2B, s0  }
0xd4: {  	[sflag:s0] =	ssyncadd.remote.s32 $0x1  }
0xd5: {  	_ =	sfence.sel $0xFFFF  }
0xd6: {  	[dreg:$0x0] =	wrdreg $0xFFFFFFFF;
	(pc) =	sbr.abs _section_cstart, $3  }
0xd7: {  	[dreg:$0x1] =	wrdreg $0xFFFFFFFF  }
0xd8: {  	_ =	task.clear_ibuf [dreg:s22], $0x2FFFF;
	_ =	strace $0x9FFFFFFF  }
0xd9: {  	(tm) =	ssettm $0x7FFFFFFF  }
tec
execute0_lowered:
.L_overlay_start_1:
0x0: {  	(tag) =	ssettag $0x1  }
0x1: {  	s1 =	rddreg [dreg:$0x0]  }
0x2: {  	s0 =	rddreg [dreg:$0x1]  }
0x3: {  	s2 =	rddreg [dreg:$0x2]  }
0x4: {  	s3 =	rddreg [dreg:$0x3]  }
0x5: {  	s5 =	simm.s32 $0x0;
	s4 =	srdreg.scid;
	s12 =	stileid.u32  }
0x6: {  	s14 =	simm.s32 $0x3;
	s15 =	simm.s32 $0x80;
	s16 =	simm.s32 $0x100  }
0x7: {  	s17 =	simm.s32 $0x900;
	s18 =	simm.s32 $0x1100;
	s19 =	simm.s32 $0x1900  }
0x8: {  	s20 =	simm.s32 $0x2100;
	s28 =	simm.s32 $0x5100;
	s29 =	simm.s32 $0x1  }
0x9: {  	s30 =	simm.s32 $0x2;
	[smem:$0x7FF] =	sst s5;
	s4 =	sand.u32 $0x1, s4  }
0xa: {  	s9 =	smul.u32 $0x14000, s12;
	s6 =	sadd.s32 $0x1600, s0;
	s7 =	sadd.s32 $0x11600, s0  }
0xb: {  	s10 =	smul.u32 $0x50000, s12;
	s11 =	sadd.s32 $0xD5A00, s0;
	s25 =	sshll.u32 s12, $0x6  }
0xc: {  	s26 =	sshll.u32 s12, $0xC;
	s8 =	smul.u32 $0x140000, s4;
	_ =	strace $0x8000004A  }
0xd: {  	[dreg:$0x5] =	wrdreg s11;
	s21 =	ssub.s32 $0x2, s4;
	s4 =	sshll.u32 s4, $0xB  }
0xe: {  	s12 =	sor.u32 $0x1C03, s25;
	s25 =	simm.s32 $0x4900;
	s22 =	sshrl.u32 s21, $0x1  }
0xf: {  	s10 =	sshrl.u32 s10, $0x2;
	s8 =	sadd.s32 s9, s8;
	s23 =	ssub.s32 s21, s22  }
0x10: {  	s24 =	sadd.s32 s10, s3;
	s10 =	sor.u32 s4, s26;
	s21 =	simm.s32 $0x2900  }
0x11: {  	s22 =	simm.s32 $0x3100;
	s8 =	sshrl.u32 s8, $0x3;
	s31 =	smax.u32 s23, $0x1  }
0x12: {  	v2 =	vlaneseq.u32;
	s4 =	sshrl.u32 s24, $0x3;
	s0 =	sadd.s32 s8, s0;
	[dreg:$0x7] =	wrdreg s31  }
0x13: {  	vm0 =	vmmov $0xffff;
	v1 =	vshrl.u32 v2, $0x3;
	s26 =	simm.s32 $0x50;
	[dreg:$0x8] =	wrdreg s4;
	s0 =	sadd.s32 $0x132800, s0  }
0x14: {  	v0 =	vand.u32 $0x7, v2;
	v2 =	vor.u32 $0x8, v2;
	v1 =	vmul.u32 $0x8, v1;
	s23 =	simm.s32 $0x3900;
	s24 =	simm.s32 $0x4100;
	[dreg:$0x6] =	wrdreg s0  }
.LBB2_1:
0x15: {  	s0 =	rddreg [dreg:$0x5]  }
0x16: {  	[spmem:s4], [sflag:s12] =	dma.local [hbm:s0], $0x2800  }
0x17: {  	_ =	swait.ge [sflag:s14], $0x2800  }
0x18: {  	[sflag:s14] =	ssyncset.done $0x0  }
0x19: {  	[sflag:s14] =	ssyncadd.s32 $0xFFFFD800  }
0x1a: {  	s13 =	smov.u32 s12;
	s31 =	simm.s32 $0x0;
	[bflag:$0x0] =	sbarrier.arrive $0xFFFF  }
.LBB2_2:
0x1b: {  	s0 =	sshll.u32 s31, $0x4  }
0x1c: {  	s0 =	sadd.s32 s10, s0  }
0x1d: {  	s4 =	simm.s32 $0x0;
	s8 =	sadd.s32 s1, s0  }
0x1e: {  	[tilespmem:s4], [sflag:$0x3] =	stream.linear.gather [hbm4b:s8+s4], $0x80, $0x38;
	[tilespmem:$0x1B900] =	vst v63  }
0x1f: {  	_ =	swait.ge [sflag:s14], $0x80  }
0x20: {  	[sflag:s14] =	ssyncset.done $0x0  }
0x21: {  	s0 =	sadd.s32 s6, s0;
	[sflag:s14] =	ssyncadd.s32 $0xFFFFFF80  }
0x22: {  	[tilespmem:s15], [sflag:$0x3] =	stream.linear.gather [hbm4b:s0+s4], $0x80, $0x38;
	[tilespmem:$0x1B900] =	vst v63  }
0x23: {  	_ =	swait.ge [sflag:s14], $0x80  }
0x24: {  	[sflag:s14] =	ssyncset.done $0x0  }
0x25: {  	[sflag:s14] =	ssyncadd.s32 $0xFFFFFF80  }
0x26: {  	v3 =	vld [tilespmem:$0x0];
	_ =	sdelay $0x4  }
0x27: {  	v4 =	vshll.u32 v3, $0x1  }
0x28: {  	v3 =	vand.u32 $0x7, v3;
	v4 =	vand.u32 $0xFFFFFFF0, v4  }
0x29: {  	v3 =	vor.u32 v3, v4  }
0x2a: {  	v4 =	vperm.xlane v3, v0;
	_ =	sdelay $0x1  }
0x2b: {  	v3 =	vperm.xlane v3, v2;
	v4 =	vadd.s32 v1, v4;
	_ =	sdelay $0x1  }
0x2c: {  	v3 =	vadd.s32 v1, v3;
	_ =	sdelay $0x2  }
0x2d: {  	[tilespmem:s16], [sflag:$0x1] =	stream.indirect_vreg.gather [hbm4b:s7+s4], $0x80, v4, vm0, $0xb8;
	[tilespmem:$0x1B900] =	vst v63  }
0x2e: {  	_ = 	snop  }
0x2f: {  	[tilespmem:s17], [sflag:$0x1] =	stream.indirect_vreg.gather [hbm4b:s7+s4], $0x80, v3, vm0, $0xb8;
	[tilespmem:$0x1B900] =	vst v63  }
0x30: {  	v3 =	vld [tilespmem:$0x10];
	_ =	sdelay $0x4  }
0x31: {  	v4 =	vshll.u32 v3, $0x1  }
0x32: {  	v3 =	vand.u32 $0x7, v3;
	v4 =	vand.u32 $0xFFFFFFF0, v4  }
0x33: {  	v3 =	vor.u32 v3, v4  }
0x34: {  	v4 =	vperm.xlane v3, v0;
	_ =	sdelay $0x1  }
0x35: {  	v3 =	vperm.xlane v3, v2;
	v4 =	vadd.s32 v1, v4;
	_ =	sdelay $0x1  }
0x36: {  	v3 =	vadd.s32 v1, v3;
	_ =	sdelay $0x2  }
0x37: {  	[tilespmem:s18], [sflag:$0x1] =	stream.indirect_vreg.gather [hbm4b:s7+s4], $0x80, v4, vm0, $0xb8;
	[tilespmem:$0x1B900] =	vst v63  }
0x38: {  	_ = 	snop  }
0x39: {  	[tilespmem:s19], [sflag:$0x1] =	stream.indirect_vreg.gather [hbm4b:s7+s4], $0x80, v3, vm0, $0xb8;
	[tilespmem:$0x1B900] =	vst v63  }
0x3a: {  	v3 =	vld [tilespmem:$0x20];
	_ =	sdelay $0x4  }
0x3b: {  	v4 =	vshll.u32 v3, $0x1  }
0x3c: {  	v3 =	vand.u32 $0x7, v3;
	v4 =	vand.u32 $0xFFFFFFF0, v4  }
0x3d: {  	v3 =	vor.u32 v3, v4  }
0x3e: {  	v4 =	vperm.xlane v3, v0;
	_ =	sdelay $0x1  }
0x3f: {  	v3 =	vperm.xlane v3, v2;
	v4 =	vadd.s32 v1, v4;
	_ =	sdelay $0x1  }
0x40: {  	v3 =	vadd.s32 v1, v3;
	_ =	sdelay $0x2  }
0x41: {  	[tilespmem:s20], [sflag:$0x1] =	stream.indirect_vreg.gather [hbm4b:s7+s4], $0x80, v4, vm0, $0xb8;
	[tilespmem:$0x1B900] =	vst v63  }
0x42: {  	_ = 	snop  }
0x43: {  	[tilespmem:s21], [sflag:$0x1] =	stream.indirect_vreg.gather [hbm4b:s7+s4], $0x80, v3, vm0, $0xb8;
	[tilespmem:$0x1B900] =	vst v63  }
0x44: {  	v3 =	vld [tilespmem:$0x30];
	_ =	sdelay $0x4  }
0x45: {  	v4 =	vshll.u32 v3, $0x1  }
0x46: {  	v3 =	vand.u32 $0x7, v3;
	v4 =	vand.u32 $0xFFFFFFF0, v4  }
0x47: {  	v3 =	vor.u32 v3, v4  }
0x48: {  	v4 =	vperm.xlane v3, v0;
	_ =	sdelay $0x1  }
0x49: {  	v3 =	vperm.xlane v3, v2;
	v4 =	vadd.s32 v1, v4;
	_ =	sdelay $0x1  }
0x4a: {  	v3 =	vadd.s32 v1, v3;
	_ =	sdelay $0x2  }
0x4b: {  	[tilespmem:s22], [sflag:$0x1] =	stream.indirect_vreg.gather [hbm4b:s7+s4], $0x80, v4, vm0, $0xb8;
	[tilespmem:$0x1B900] =	vst v63  }
0x4c: {  	_ = 	snop  }
0x4d: {  	[tilespmem:s23], [sflag:$0x1] =	stream.indirect_vreg.gather [hbm4b:s7+s4], $0x80, v3, vm0, $0xb8;
	[tilespmem:$0x1B900] =	vst v63  }
0x4e: {  	v3 =	vld [tilespmem:$0x40];
	_ =	sdelay $0x4  }
0x4f: {  	v4 =	vshll.u32 v3, $0x1  }
0x50: {  	v3 =	vand.u32 $0x7, v3;
	v4 =	vand.u32 $0xFFFFFFF0, v4  }
0x51: {  	v3 =	vor.u32 v3, v4  }
0x52: {  	v4 =	vperm.xlane v3, v0;
	_ =	sdelay $0x1  }
0x53: {  	v3 =	vperm.xlane v3, v2;
	v4 =	vadd.s32 v1, v4;
	_ =	sdelay $0x1  }
0x54: {  	v3 =	vadd.s32 v1, v3;
	_ =	sdelay $0x2  }
0x55: {  	[tilespmem:s24], [sflag:$0x1] =	stream.indirect_vreg.gather [hbm4b:s7+s4], $0x80, v4, vm0, $0xb8;
	[tilespmem:$0x1B900] =	vst v63  }
0x56: {  	_ = 	snop  }
0x57: {  	[tilespmem:s25], [sflag:$0x1] =	stream.indirect_vreg.gather [hbm4b:s7+s4], $0x80, v3, vm0, $0xb8;
	[tilespmem:$0x1B900] =	vst v63  }
0x58: {  	_ = 	snop  }
0x59: {  	[tilespmem:s28], [sflag:$0x2] =	stream.indirect.gather [hbm4b:s2+s26], $0x80, s15, s26, $0xb8;
	[tilespmem:$0x1B900] =	vst v63  }
0x5a: {  	_ =	swait.ge [sflag:s29], $0x5000  }
0x5b: {  	[sflag:s29] =	ssyncset.done $0x0  }
0x5c: {  	[sflag:s29] =	ssyncadd.s32 $0xFFFFB000  }
0x5d: {  	_ =	swait.ge [sflag:s30], $0x2800  }
0x5e: {  	s12 =	sand.u32 $0x7800, s4;
	[sflag:s30] =	ssyncset.done $0x0  }
0x5f: {  	s0 =	simm.s32 $0x5140;
	s4 =	sand.u32 $0x380, s4;
	[sflag:s30] =	ssyncadd.s32 $0xFFFFD800  }
0x60: {  	s4 =	sor.u32 s4, s12;
	v3 =	vld [tilespmem:s0+$0xFFFFFFC0]  }
0x61: {  	v4 =	vld [tilespmem:s4+$0x100];
	_ =	sdelay $0x4  }
0x62: {  	v3 =	vadd.f32 v3, v4;
	_ =	sdelay $0x1  }
0x63: {  	v3 =	vsub.f32 $0.0e+00, v3;
	_ =	sdelay $0x1  }
0x64: {  	v3 =	vmul.f32 $1.442695020e+00, v3;
	_ =	sdelay $0x1  }
0x65: {  	(erf) = vpow2.f32 v3;
	_ =	sdelay $0x8  }
0x66: {  	v3 =	vpop (erf)  }
0x67: {  	v3 =	vadd.f32 $1.000000000e+00, v3;
	_ =	sdelay $0x1  }
0x68: {  	(erf) = vrcp.f32 v3;
	_ =	sdelay $0x4  }
0x69: {  	v3 =	vld [tilespmem:s4+$0x500];
	_ =	sdelay $0x3  }
0x6a: {  	v4 =	vpop (erf)  }
0x6b: {  	v3 =	vmul.f32 v4, v3;
	_ =	sdelay $0x1  }
0x6c: {  	[tilespmem:s0+$0xFFFFFFC0] =	vst v3;
	v3 =	vld [tilespmem:s0+$0xFFFFFFD0]  }
0x6d: {  	v4 =	vld [tilespmem:s4+$0x110];
	_ =	sdelay $0x4  }
0x6e: {  	v3 =	vadd.f32 v3, v4;
	_ =	sdelay $0x1  }
0x6f: {  	v3 =	vsub.f32 $0.0e+00, v3;
	_ =	sdelay $0x1  }
0x70: {  	v3 =	vmul.f32 $1.442695020e+00, v3;
	_ =	sdelay $0x1  }
0x71: {  	(erf) = vpow2.f32 v3;
	_ =	sdelay $0x8  }
0x72: {  	v3 =	vpop (erf)  }
0x73: {  	v3 =	vadd.f32 $1.000000000e+00, v3;
	_ =	sdelay $0x1  }
0x74: {  	(erf) = vrcp.f32 v3;
	_ =	sdelay $0x4  }
0x75: {  	v3 =	vld [tilespmem:s4+$0x510];
	_ =	sdelay $0x3  }
0x76: {  	v4 =	vpop (erf)  }
0x77: {  	v3 =	vmul.f32 v4, v3;
	_ =	sdelay $0x1  }
0x78: {  	[tilespmem:s0+$0xFFFFFFD0] =	vst v3;
	v3 =	vld [tilespmem:s0+$0xFFFFFFE0]  }
0x79: {  	v4 =	vld [tilespmem:s4+$0x120];
	_ =	sdelay $0x4  }
0x7a: {  	v3 =	vadd.f32 v3, v4;
	_ =	sdelay $0x1  }
0x7b: {  	v3 =	vsub.f32 $0.0e+00, v3;
	_ =	sdelay $0x1  }
0x7c: {  	v3 =	vmul.f32 $1.442695020e+00, v3;
	_ =	sdelay $0x1  }
0x7d: {  	(erf) = vpow2.f32 v3;
	_ =	sdelay $0x8  }
0x7e: {  	v3 =	vpop (erf)  }
0x7f: {  	v3 =	vadd.f32 $1.000000000e+00, v3;
	_ =	sdelay $0x1  }
0x80: {  	(erf) = vrcp.f32 v3;
	_ =	sdelay $0x4  }
0x81: {  	v3 =	vld [tilespmem:s4+$0x520];
	_ =	sdelay $0x3  }
0x82: {  	v4 =	vpop (erf)  }
0x83: {  	v3 =	vmul.f32 v4, v3;
	_ =	sdelay $0x1  }
0x84: {  	[tilespmem:s0+$0xFFFFFFE0] =	vst v3;
	v3 =	vld [tilespmem:s0+$0xFFFFFFF0]  }
0x85: {  	v4 =	vld [tilespmem:s4+$0x130];
	_ =	sdelay $0x4  }
0x86: {  	v3 =	vadd.f32 v3, v4;
	_ =	sdelay $0x1  }
0x87: {  	v3 =	vsub.f32 $0.0e+00, v3;
	_ =	sdelay $0x1  }
0x88: {  	v3 =	vmul.f32 $1.442695020e+00, v3;
	_ =	sdelay $0x1  }
0x89: {  	(erf) = vpow2.f32 v3;
	_ =	sdelay $0x8  }
0x8a: {  	v3 =	vpop (erf)  }
0x8b: {  	v3 =	vadd.f32 $1.000000000e+00, v3;
	_ =	sdelay $0x1  }
0x8c: {  	(erf) = vrcp.f32 v3;
	_ =	sdelay $0x4  }
0x8d: {  	v3 =	vld [tilespmem:s4+$0x530];
	_ =	sdelay $0x3  }
0x8e: {  	v4 =	vpop (erf)  }
0x8f: {  	v3 =	vmul.f32 v4, v3;
	_ =	sdelay $0x1  }
0x90: {  	[tilespmem:s0+$0xFFFFFFF0] =	vst v3;
	v3 =	vld [tilespmem:s0+$0x0]  }
0x91: {  	v4 =	vld [tilespmem:s4+$0x140];
	_ =	sdelay $0x4  }
0x92: {  	v3 =	vadd.f32 v3, v4;
	_ =	sdelay $0x1  }
0x93: {  	v3 =	vsub.f32 $0.0e+00, v3;
	_ =	sdelay $0x1  }
0x94: {  	v3 =	vmul.f32 $1.442695020e+00, v3;
	_ =	sdelay $0x1  }
0x95: {  	(erf) = vpow2.f32 v3;
	_ =	sdelay $0x8  }
0x96: {  	v3 =	vpop (erf)  }
0x97: {  	v3 =	vadd.f32 $1.000000000e+00, v3;
	_ =	sdelay $0x1  }
0x98: {  	(erf) = vrcp.f32 v3;
	_ =	sdelay $0x4  }
0x99: {  	v3 =	vld [tilespmem:s4+$0x540];
	_ =	sdelay $0x3  }
0x9a: {  	v4 =	vpop (erf)  }
0x9b: {  	v3 =	vmul.f32 v4, v3;
	_ =	sdelay $0x1  }
0x9c: {  	[tilespmem:s0+$0x0] =	vst v3;
	v3 =	vld [tilespmem:s0+$0x10]  }
0x9d: {  	v4 =	vld [tilespmem:s4+$0x150];
	_ =	sdelay $0x4  }
0x9e: {  	v3 =	vadd.f32 v3, v4;
	_ =	sdelay $0x1  }
0x9f: {  	v3 =	vsub.f32 $0.0e+00, v3;
	_ =	sdelay $0x1  }
0xa0: {  	v3 =	vmul.f32 $1.442695020e+00, v3;
	_ =	sdelay $0x1  }
0xa1: {  	(erf) = vpow2.f32 v3;
	_ =	sdelay $0x8  }
0xa2: {  	v3 =	vpop (erf)  }
0xa3: {  	v3 =	vadd.f32 $1.000000000e+00, v3;
	_ =	sdelay $0x1  }
0xa4: {  	(erf) = vrcp.f32 v3;
	_ =	sdelay $0x4  }
0xa5: {  	v3 =	vld [tilespmem:s4+$0x550];
	_ =	sdelay $0x3  }
0xa6: {  	v4 =	vpop (erf)  }
0xa7: {  	v3 =	vmul.f32 v4, v3;
	_ =	sdelay $0x1  }
0xa8: {  	[tilespmem:s0+$0x10] =	vst v3;
	v3 =	vld [tilespmem:s0+$0x20]  }
0xa9: {  	v4 =	vld [tilespmem:s4+$0x160];
	_ =	sdelay $0x4  }
0xaa: {  	v3 =	vadd.f32 v3, v4;
	_ =	sdelay $0x1  }
0xab: {  	v3 =	vsub.f32 $0.0e+00, v3;
	_ =	sdelay $0x1  }
0xac: {  	v3 =	vmul.f32 $1.442695020e+00, v3;
	_ =	sdelay $0x1  }
0xad: {  	(erf) = vpow2.f32 v3;
	_ =	sdelay $0x8  }
0xae: {  	v3 =	vpop (erf)  }
0xaf: {  	v3 =	vadd.f32 $1.000000000e+00, v3;
	_ =	sdelay $0x1  }
0xb0: {  	(erf) = vrcp.f32 v3;
	_ =	sdelay $0x4  }
0xb1: {  	v3 =	vld [tilespmem:s4+$0x560];
	_ =	sdelay $0x3  }
0xb2: {  	v4 =	vpop (erf)  }
0xb3: {  	v3 =	vmul.f32 v4, v3;
	_ =	sdelay $0x1  }
0xb4: {  	[tilespmem:s0+$0x20] =	vst v3;
	v3 =	vld [tilespmem:s0+$0x30]  }
0xb5: {  	v4 =	vld [tilespmem:s4+$0x170];
	_ =	sdelay $0x4  }
0xb6: {  	v3 =	vadd.f32 v3, v4;
	_ =	sdelay $0x1  }
0xb7: {  	v3 =	vsub.f32 $0.0e+00, v3;
	_ =	sdelay $0x1  }
0xb8: {  	v3 =	vmul.f32 $1.442695020e+00, v3;
	_ =	sdelay $0x1  }
0xb9: {  	(erf) = vpow2.f32 v3;
	_ =	sdelay $0x8  }
0xba: {  	v3 =	vpop (erf)  }
0xbb: {  	v3 =	vadd.f32 $1.000000000e+00, v3;
	_ =	sdelay $0x1  }
0xbc: {  	(erf) = vrcp.f32 v3;
	_ =	sdelay $0x4  }
0xbd: {  	v3 =	vld [tilespmem:s4+$0x570];
	_ =	sdelay $0x3  }
0xbe: {  	v4 =	vpop (erf)  }
0xbf: {  	s9 =	simm.s32 $0x100;
	s11 =	simm.s32 $0x200;
	s8 =	simm.s32 $0x80;
	v3 =	vmul.f32 v4, v3  }
0xc0: {  	s12 =	sand.u32 $0x7800, s9;
	s9 =	sand.u32 $0x380, s8;
	s4 =	simm.s32 $0x51C0  }
.LBB2_3:
0xc1: {  	p0 =	sne.s32 s11, $0x4F00;
	s12 =	sor.u32 s9, s12;
	v4 =	vld [tilespmem:s4+$0xFFFFFFC0];
	[tilespmem:s0+$0x30] =	vst v3;
	s0 =	smov.u32 s4  }
0xc2: {  	v3 =	vld [tilespmem:s12+$0x100]  }
0xc3: {  	v5 =	vld [tilespmem:s12+$0x500];
	_ =	sdelay $0x3  }
0xc4: {  	v3 =	vadd.f32 v4, v3;
	_ =	sdelay $0x1  }
0xc5: {  	v3 =	vsub.f32 $0.0e+00, v3;
	_ =	sdelay $0x1  }
0xc6: {  	v3 =	vmul.f32 $1.442695020e+00, v3;
	_ =	sdelay $0x1  }
0xc7: {  	(erf) = vpow2.f32 v3;
	_ =	sdelay $0x8  }
0xc8: {  	v3 =	vpop (erf)  }
0xc9: {  	v3 =	vadd.f32 $1.000000000e+00, v3;
	_ =	sdelay $0x1  }
0xca: {  	(erf) = vrcp.f32 v3;
	_ =	sdelay $0x8  }
0xcb: {  	v3 =	vpop (erf)  }
0xcc: {  	v3 =	vmul.f32 v3, v5;
	_ =	sdelay $0x1  }
0xcd: {  	[tilespmem:s4+$0xFFFFFFC0] =	vst v3;
	v3 =	vld [tilespmem:s4+$0xFFFFFFD0]  }
0xce: {  	v4 =	vld [tilespmem:s12+$0x110];
	_ =	sdelay $0x4  }
0xcf: {  	v3 =	vadd.f32 v3, v4;
	_ =	sdelay $0x1  }
0xd0: {  	v3 =	vsub.f32 $0.0e+00, v3;
	_ =	sdelay $0x1  }
0xd1: {  	v3 =	vmul.f32 $1.442695020e+00, v3;
	_ =	sdelay $0x1  }
0xd2: {  	(erf) = vpow2.f32 v3;
	_ =	sdelay $0x8  }
0xd3: {  	v3 =	vpop (erf)  }
0xd4: {  	v3 =	vadd.f32 $1.000000000e+00, v3;
	_ =	sdelay $0x1  }
0xd5: {  	(erf) = vrcp.f32 v3;
	_ =	sdelay $0x4  }
0xd6: {  	v3 =	vld [tilespmem:s12+$0x510];
	_ =	sdelay $0x3  }
0xd7: {  	v4 =	vpop (erf)  }
0xd8: {  	v3 =	vmul.f32 v4, v3;
	_ =	sdelay $0x1  }
0xd9: {  	[tilespmem:s4+$0xFFFFFFD0] =	vst v3;
	v3 =	vld [tilespmem:s4+$0xFFFFFFE0]  }
0xda: {  	v4 =	vld [tilespmem:s12+$0x120];
	_ =	sdelay $0x4  }
0xdb: {  	v3 =	vadd.f32 v3, v4;
	_ =	sdelay $0x1  }
0xdc: {  	v3 =	vsub.f32 $0.0e+00, v3;
	_ =	sdelay $0x1  }
0xdd: {  	v3 =	vmul.f32 $1.442695020e+00, v3;
	_ =	sdelay $0x1  }
0xde: {  	(erf) = vpow2.f32 v3;
	_ =	sdelay $0x8  }
0xdf: {  	v3 =	vpop (erf)  }
0xe0: {  	v3 =	vadd.f32 $1.000000000e+00, v3;
	_ =	sdelay $0x1  }
0xe1: {  	(erf) = vrcp.f32 v3;
	_ =	sdelay $0x4  }
0xe2: {  	v3 =	vld [tilespmem:s12+$0x520];
	_ =	sdelay $0x3  }
0xe3: {  	v4 =	vpop (erf)  }
0xe4: {  	v3 =	vmul.f32 v4, v3;
	_ =	sdelay $0x1  }
0xe5: {  	[tilespmem:s4+$0xFFFFFFE0] =	vst v3;
	v3 =	vld [tilespmem:s4+$0xFFFFFFF0]  }
0xe6: {  	v4 =	vld [tilespmem:s12+$0x130];
	_ =	sdelay $0x4  }
0xe7: {  	v3 =	vadd.f32 v3, v4;
	_ =	sdelay $0x1  }
0xe8: {  	v3 =	vsub.f32 $0.0e+00, v3;
	_ =	sdelay $0x1  }
0xe9: {  	v3 =	vmul.f32 $1.442695020e+00, v3;
	_ =	sdelay $0x1  }
0xea: {  	(erf) = vpow2.f32 v3;
	_ =	sdelay $0x8  }
0xeb: {  	v3 =	vpop (erf)  }
0xec: {  	v3 =	vadd.f32 $1.000000000e+00, v3;
	_ =	sdelay $0x1  }
0xed: {  	(erf) = vrcp.f32 v3;
	_ =	sdelay $0x4  }
0xee: {  	v3 =	vld [tilespmem:s12+$0x530];
	_ =	sdelay $0x3  }
0xef: {  	v4 =	vpop (erf)  }
0xf0: {  	v3 =	vmul.f32 v4, v3;
	_ =	sdelay $0x1  }
0xf1: {  	[tilespmem:s4+$0xFFFFFFF0] =	vst v3;
	v3 =	vld [tilespmem:s4+$0x0]  }
0xf2: {  	v4 =	vld [tilespmem:s12+$0x140];
	_ =	sdelay $0x4  }
0xf3: {  	v3 =	vadd.f32 v3, v4;
	_ =	sdelay $0x1  }
0xf4: {  	v3 =	vsub.f32 $0.0e+00, v3;
	_ =	sdelay $0x1  }
0xf5: {  	v3 =	vmul.f32 $1.442695020e+00, v3;
	_ =	sdelay $0x1  }
0xf6: {  	(erf) = vpow2.f32 v3;
	_ =	sdelay $0x8  }
0xf7: {  	v3 =	vpop (erf)  }
0xf8: {  	v3 =	vadd.f32 $1.000000000e+00, v3;
	_ =	sdelay $0x1  }
0xf9: {  	(erf) = vrcp.f32 v3;
	_ =	sdelay $0x4  }
0xfa: {  	v3 =	vld [tilespmem:s12+$0x540];
	_ =	sdelay $0x3  }
0xfb: {  	v4 =	vpop (erf)  }
0xfc: {  	v3 =	vmul.f32 v4, v3;
	_ =	sdelay $0x1  }
0xfd: {  	[tilespmem:s4+$0x0] =	vst v3;
	v3 =	vld [tilespmem:s4+$0x10]  }
0xfe: {  	v4 =	vld [tilespmem:s12+$0x150];
	_ =	sdelay $0x4  }
0xff: {  	v3 =	vadd.f32 v3, v4;
	_ =	sdelay $0x1  }
0x100: {  	v3 =	vsub.f32 $0.0e+00, v3;
	_ =	sdelay $0x1  }
0x101: {  	v3 =	vmul.f32 $1.442695020e+00, v3;
	_ =	sdelay $0x1  }
0x102: {  	(erf) = vpow2.f32 v3;
	_ =	sdelay $0x8  }
0x103: {  	v3 =	vpop (erf)  }
0x104: {  	v3 =	vadd.f32 $1.000000000e+00, v3;
	_ =	sdelay $0x1  }
0x105: {  	(erf) = vrcp.f32 v3;
	_ =	sdelay $0x4  }
0x106: {  	v3 =	vld [tilespmem:s12+$0x550];
	_ =	sdelay $0x3  }
0x107: {  	v4 =	vpop (erf)  }
0x108: {  	v3 =	vmul.f32 v4, v3;
	_ =	sdelay $0x1  }
0x109: {  	[tilespmem:s4+$0x10] =	vst v3;
	v3 =	vld [tilespmem:s4+$0x20]  }
0x10a: {  	v4 =	vld [tilespmem:s12+$0x160]  }
0x10b: {  	v5 =	vld [tilespmem:s12+$0x560];
	_ =	sdelay $0x3  }
0x10c: {  	v3 =	vadd.f32 v3, v4;
	_ =	sdelay $0x1  }
0x10d: {  	v3 =	vsub.f32 $0.0e+00, v3;
	_ =	sdelay $0x1  }
0x10e: {  	v3 =	vmul.f32 $1.442695020e+00, v3;
	_ =	sdelay $0x1  }
0x10f: {  	(erf) = vpow2.f32 v3;
	_ =	sdelay $0x8  }
0x110: {  	v3 =	vpop (erf)  }
0x111: {  	v3 =	vadd.f32 $1.000000000e+00, v3;
	_ =	sdelay $0x1  }
0x112: {  	(erf) = vrcp.f32 v3;
	_ =	sdelay $0x8  }
0x113: {  	v3 =	vpop (erf)  }
0x114: {  	v3 =	vmul.f32 v3, v5;
	_ =	sdelay $0x1  }
0x115: {  	[tilespmem:s4+$0x20] =	vst v3;
	v3 =	vld [tilespmem:s4+$0x30]  }
0x116: {  	v4 =	vld [tilespmem:s12+$0x170]  }
0x117: {  	v5 =	vld [tilespmem:s12+$0x570];
	_ =	sdelay $0x3  }
0x118: {  	v3 =	vadd.f32 v3, v4;
	_ =	sdelay $0x1  }
0x119: {  	v3 =	vsub.f32 $0.0e+00, v3;
	_ =	sdelay $0x1  }
0x11a: {  	v3 =	vmul.f32 $1.442695020e+00, v3;
	_ =	sdelay $0x1  }
0x11b: {  	(erf) = vpow2.f32 v3;
	_ =	sdelay $0x8  }
0x11c: {  	v3 =	vpop (erf)  }
0x11d: {  	v3 =	vadd.f32 $1.000000000e+00, v3;
	_ =	sdelay $0x1  }
0x11e: {  	(erf) = vrcp.f32 v3;
	_ =	sdelay $0x6  }
.Ltmp0:
0x11f: {  	(pc) =	sbr.rel @p0 .LBB2_3-.Ltmp0, $4  }
0x120: {  	_ = 	snop  }
0x121: {  	v3 =	vpop (erf)  }
0x122: {  	s8 =	sadd.s32 $0x80, s8;
	s4 =	sadd.s32 $0x80, s4;
	v3 =	vmul.f32 v3, v5  }
0x123: {  	s9 =	sand.u32 $0x380, s8;
	s12 =	sand.u32 $0x7800, s11;
	s11 =	sadd.s32 $0x100, s11  }
0x124: {  	s8 =	sor.u32 s9, s12;
	v4 =	vld [tilespmem:s4+$0xFFFFFFC0];
	[tilespmem:s0+$0x30] =	vst v3  }
0x125: {  	v3 =	vld [tilespmem:s8+$0x100];
	_ =	sdelay $0x4  }
0x126: {  	v3 =	vadd.f32 v4, v3;
	_ =	sdelay $0x1  }
0x127: {  	v3 =	vsub.f32 $0.0e+00, v3;
	_ =	sdelay $0x1  }
0x128: {  	v3 =	vmul.f32 $1.442695020e+00, v3;
	_ =	sdelay $0x1  }
0x129: {  	(erf) = vpow2.f32 v3;
	_ =	sdelay $0x8  }
0x12a: {  	v3 =	vpop (erf)  }
0x12b: {  	v3 =	vadd.f32 $1.000000000e+00, v3;
	_ =	sdelay $0x1  }
0x12c: {  	(erf) = vrcp.f32 v3;
	_ =	sdelay $0x4  }
0x12d: {  	v3 =	vld [tilespmem:s8+$0x500];
	_ =	sdelay $0x3  }
0x12e: {  	v49 =	vpop (erf)  }
0x12f: {  	v3 =	vmul.f32 v49, v3;
	_ =	sdelay $0x1  }
0x130: {  	[tilespmem:s4+$0xFFFFFFC0] =	vst v3;
	v3 =	vld [tilespmem:s4+$0xFFFFFFD0]  }
0x131: {  	v50 =	vld [tilespmem:s8+$0x110];
	_ =	sdelay $0x4  }
0x132: {  	v3 =	vadd.f32 v3, v50;
	_ =	sdelay $0x1  }
0x133: {  	v3 =	vsub.f32 $0.0e+00, v3;
	_ =	sdelay $0x1  }
0x134: {  	v3 =	vmul.f32 $1.442695020e+00, v3;
	_ =	sdelay $0x1  }
0x135: {  	(erf) = vpow2.f32 v3;
	_ =	sdelay $0x8  }
0x136: {  	v3 =	vpop (erf)  }
0x137: {  	v3 =	vadd.f32 $1.000000000e+00, v3;
	_ =	sdelay $0x1  }
0x138: {  	(erf) = vrcp.f32 v3;
	_ =	sdelay $0x4  }
0x139: {  	v3 =	vld [tilespmem:s8+$0x510];
	_ =	sdelay $0x3  }
0x13a: {  	v51 =	vpop (erf)  }
0x13b: {  	v3 =	vmul.f32 v51, v3;
	_ =	sdelay $0x1  }
0x13c: {  	[tilespmem:s4+$0xFFFFFFD0] =	vst v3;
	v3 =	vld [tilespmem:s4+$0xFFFFFFE0]  }
0x13d: {  	v52 =	vld [tilespmem:s8+$0x120];
	_ =	sdelay $0x4  }
0x13e: {  	v3 =	vadd.f32 v3, v52;
	_ =	sdelay $0x1  }
0x13f: {  	v3 =	vsub.f32 $0.0e+00, v3;
	_ =	sdelay $0x1  }
0x140: {  	v3 =	vmul.f32 $1.442695020e+00, v3;
	_ =	sdelay $0x1  }
0x141: {  	(erf) = vpow2.f32 v3;
	_ =	sdelay $0x8  }
0x142: {  	v3 =	vpop (erf)  }
0x143: {  	v3 =	vadd.f32 $1.000000000e+00, v3;
	_ =	sdelay $0x1  }
0x144: {  	(erf) = vrcp.f32 v3;
	_ =	sdelay $0x4  }
0x145: {  	v3 =	vld [tilespmem:s8+$0x520];
	_ =	sdelay $0x3  }
0x146: {  	v53 =	vpop (erf)  }
0x147: {  	v3 =	vmul.f32 v53, v3;
	_ =	sdelay $0x1  }
0x148: {  	[tilespmem:s4+$0xFFFFFFE0] =	vst v3;
	v3 =	vld [tilespmem:s4+$0xFFFFFFF0]  }
0x149: {  	v54 =	vld [tilespmem:s8+$0x130];
	_ =	sdelay $0x4  }
0x14a: {  	v3 =	vadd.f32 v3, v54;
	_ =	sdelay $0x1  }
0x14b: {  	v3 =	vsub.f32 $0.0e+00, v3;
	_ =	sdelay $0x1  }
0x14c: {  	v3 =	vmul.f32 $1.442695020e+00, v3;
	_ =	sdelay $0x1  }
0x14d: {  	(erf) = vpow2.f32 v3;
	_ =	sdelay $0x8  }
0x14e: {  	v3 =	vpop (erf)  }
0x14f: {  	v3 =	vadd.f32 $1.000000000e+00, v3;
	_ =	sdelay $0x1  }
0x150: {  	(erf) = vrcp.f32 v3;
	_ =	sdelay $0x4  }
0x151: {  	v3 =	vld [tilespmem:s8+$0x530];
	_ =	sdelay $0x3  }
0x152: {  	v55 =	vpop (erf)  }
0x153: {  	v3 =	vmul.f32 v55, v3;
	_ =	sdelay $0x1  }
0x154: {  	[tilespmem:s4+$0xFFFFFFF0] =	vst v3;
	v3 =	vld [tilespmem:s4+$0x0]  }
0x155: {  	v56 =	vld [tilespmem:s8+$0x140];
	_ =	sdelay $0x4  }
0x156: {  	v3 =	vadd.f32 v3, v56;
	_ =	sdelay $0x1  }
0x157: {  	v3 =	vsub.f32 $0.0e+00, v3;
	_ =	sdelay $0x1  }
0x158: {  	v3 =	vmul.f32 $1.442695020e+00, v3;
	_ =	sdelay $0x1  }
0x159: {  	(erf) = vpow2.f32 v3;
	_ =	sdelay $0x8  }
0x15a: {  	v3 =	vpop (erf)  }
0x15b: {  	v3 =	vadd.f32 $1.000000000e+00, v3;
	_ =	sdelay $0x1  }
0x15c: {  	(erf) = vrcp.f32 v3;
	_ =	sdelay $0x4  }
0x15d: {  	v3 =	vld [tilespmem:s8+$0x540];
	_ =	sdelay $0x3  }
0x15e: {  	v57 =	vpop (erf)  }
0x15f: {  	v3 =	vmul.f32 v57, v3;
	_ =	sdelay $0x1  }
0x160: {  	[tilespmem:s4+$0x0] =	vst v3;
	v3 =	vld [tilespmem:s4+$0x10]  }
0x161: {  	v58 =	vld [tilespmem:s8+$0x150];
	_ =	sdelay $0x4  }
0x162: {  	v3 =	vadd.f32 v3, v58;
	_ =	sdelay $0x1  }
0x163: {  	v3 =	vsub.f32 $0.0e+00, v3;
	_ =	sdelay $0x1  }
0x164: {  	v3 =	vmul.f32 $1.442695020e+00, v3;
	_ =	sdelay $0x1  }
0x165: {  	(erf) = vpow2.f32 v3;
	_ =	sdelay $0x8  }
0x166: {  	v3 =	vpop (erf)  }
0x167: {  	v3 =	vadd.f32 $1.000000000e+00, v3;
	_ =	sdelay $0x1  }
0x168: {  	(erf) = vrcp.f32 v3;
	_ =	sdelay $0x4  }
0x169: {  	v3 =	vld [tilespmem:s8+$0x550];
	_ =	sdelay $0x3  }
0x16a: {  	v59 =	vpop (erf)  }
0x16b: {  	v3 =	vmul.f32 v59, v3;
	_ =	sdelay $0x1  }
0x16c: {  	[tilespmem:s4+$0x10] =	vst v3;
	v3 =	vld [tilespmem:s4+$0x20]  }
0x16d: {  	v60 =	vld [tilespmem:s8+$0x160];
	_ =	sdelay $0x4  }
0x16e: {  	v3 =	vadd.f32 v3, v60;
	_ =	sdelay $0x1  }
0x16f: {  	v3 =	vsub.f32 $0.0e+00, v3;
	_ =	sdelay $0x1  }
0x170: {  	v3 =	vmul.f32 $1.442695020e+00, v3;
	_ =	sdelay $0x1  }
0x171: {  	(erf) = vpow2.f32 v3;
	_ =	sdelay $0x8  }
0x172: {  	v3 =	vpop (erf)  }
0x173: {  	v3 =	vadd.f32 $1.000000000e+00, v3;
	_ =	sdelay $0x1  }
0x174: {  	(erf) = vrcp.f32 v3;
	_ =	sdelay $0x4  }
0x175: {  	v3 =	vld [tilespmem:s8+$0x560];
	_ =	sdelay $0x3  }
0x176: {  	v61 =	vpop (erf)  }
0x177: {  	v3 =	vmul.f32 v61, v3;
	_ =	sdelay $0x1  }
0x178: {  	[tilespmem:s4+$0x20] =	vst v3;
	v3 =	vld [tilespmem:s4+$0x30]  }
0x179: {  	v62 =	vld [tilespmem:s8+$0x170];
	_ =	sdelay $0x4  }
0x17a: {  	v3 =	vadd.f32 v3, v62;
	_ =	sdelay $0x1  }
0x17b: {  	v3 =	vsub.f32 $0.0e+00, v3;
	_ =	sdelay $0x1  }
0x17c: {  	v3 =	vmul.f32 $1.442695020e+00, v3;
	_ =	sdelay $0x1  }
0x17d: {  	(erf) = vpow2.f32 v3;
	_ =	sdelay $0x8  }
0x17e: {  	v3 =	vpop (erf)  }
0x17f: {  	v3 =	vadd.f32 $1.000000000e+00, v3;
	_ =	sdelay $0x1  }
0x180: {  	(erf) = vrcp.f32 v3;
	_ =	sdelay $0x4  }
0x181: {  	v3 =	vld [tilespmem:s8+$0x570];
	_ =	sdelay $0x3  }
0x182: {  	v63 =	vpop (erf)  }
0x183: {  	s31 =	sadd.s32 $0x1, s31;
	v3 =	vmul.f32 v63, v3  }
0x184: {  	p0 =	sne.s32 s31, $0x7D  }
.Ltmp1:
0x185: {  	[tilespmem:s4+$0x30] =	vst v3;
	(pc) =	sbr.rel @p0 .LBB2_2-.Ltmp1, $4  }
0x186: {  	[spmem:s3] =	stream.indirect.scatter.add.f32 [tilespmem:s28], [sflag:$0x3], $0x80, s15, s26, $0xb8;
	[tilespmem:$0x1B900] =	vst v63  }
0x187: {  	_ =	swait.ge [sflag:s14], $0x2800  }
0x188: {  	[sflag:s14] =	ssyncset.done $0x0  }
0x189: {  	[sflag:s14] =	ssyncadd.s32 $0xFFFFD800  }
0x18a: {  	[bflag:$0x0] =	sbarrier.arrive $0xFFFF  }
0x18b: {  	s0 =	rddreg [dreg:$0x6]  }
0x18c: {  	s4 =	rddreg [dreg:$0x8]  }
0x18d: {  	[hbm:s0], [sflag:s13] =	dma.local [spmem:s4], $0x2800  }
0x18e: {  	_ =	swait.ge [sflag:s14], $0x2800  }
0x18f: {  	s5 =	sadd.s32 $0x1, s5;
	s31 =	rddreg [dreg:$0x7]  }
0x190: {  	p0 =	sne.s32 s5, s31  }
.Ltmp2:
0x191: {  	_ = 	snop;
	(pc) =	sbr.rel @p0 .LBB2_1-.Ltmp2, $3  }
0x192: {  	_ =	sdelay $0x1  }
0x193: {  	[sflag:s14] =	ssyncset.done $0x0  }
0x194: {  	s12 =	smov.u32 s13;
	[sflag:s14] =	ssyncadd.s32 $0xFFFFD800  }
0x195: {  	_ =	sfence.sel $0x180000  }
0x196: {  	[bflag:$0x0] =	sbarrier.arrive $0xFFFF  }
0x197: {  	_ =	strace $0x9000004A  }
0x198: {  	s0 =	stileid.u32;
	[bflag:$0x2] =	sbarrier.arrive $0xFFFF  }
0x199: {  	p0 =	sne.s32 s0, $0x0;
	s0 =	rddreg [dreg:$0x4]  }
0x19a: {  	s0 =	sadd.s32 @!p0 $0x100000, s0  }
0x19b: {  	[sflag:s0] =	ssyncadd.tile.s32 @!p0 $0x1;
	_ =	shalt  }
.Lfunc_end2:
_tile_overlayer_lowered:
.L_overlay_start_2:
0x19c: {  	(tag) =	ssettag $0x2  }
0x19d: {  	s0 =	rddreg [dreg:$0x0];
	s2 =	stileid.u32  }
0x19e: {  	s1 =	rddreg [dreg:$0x1];
	p0 =	sne.s32 s2, $0x0  }
0x19f: {  	s3 =	rddreg [dreg:$0x2];
	[bflag:$0x3] =	sbarrier.arrive $0xFFFF;
	s2 =	simm.s32 @!p0 $0x1C03  }
0x1a0: {  	[timem:s3], [sflag:s2] =	dma.local @!p0 [hbm:s0], s1  }
0x1a1: {  	s0 =	simm.s32 @!p0 $0x3  }
0x1a2: {  	_ =	swait.ge @!p0 [sflag:s0], s1  }
0x1a3: {  	s1 =	ssub.s32 @!p0 $0x0, s1;
	[sflag:s0] =	ssyncset.done @!p0 $0x0  }
0x1a4: {  	[sflag:s0] =	ssyncadd.s32 @!p0 s1  }
0x1a5: {  	[bflag:$0x3] =	sbarrier.arrive $0xFFFF  }
0x1a6: {  	_ =	shalt  }

</sc_bundles>
